<compile_context>
chip_gen: v7x
topology: tpu7x:2x2x1
jax: 0.10.2.dev20260603
libtpu: 0.0.44.dev20260713+nightly
codegen_flags: <defaults>
</compile_context>

<pallas_src>
import functools

import jax
import jax.numpy as jnp
from jax import lax
from jax.experimental import pallas as pl
from jax.experimental.pallas import tpu as pltpu
from jax.experimental.pallas import tpu_sc as plsc

_LANES = 16
_SUBLANES = 8


def _sc_geometry():
    try:
        info = plsc.get_sparse_core_info()
        return info.num_cores, info.num_subcores
    except Exception:
        return 2, 16


def _make_kernel(rows, cols, num_types):
    nc, ns = _sc_geometry()
    nw = nc * ns
    assert rows % _SUBLANES == 0 and cols % (nw * 128) == 0
    lanes_per_w = cols // nw
    chunk_rows = None
    for cand in (40, 24, 16, 8):
        if rows % cand == 0 and 6 * cand * lanes_per_w * 4 <= 490_000:
            chunk_rows = cand
            break
    assert chunk_rows is not None and chunk_rows % _SUBLANES == 0
    n_chunks = rows // chunk_rows
    assert n_chunks >= 3

    mesh = plsc.VectorSubcoreMesh(core_axis_name="c", subcore_axis_name="s")

    @functools.partial(
        pl.kernel,
        mesh=mesh,
        out_type=jax.ShapeDtypeStruct((rows, cols), jnp.float32),
        compiler_params=pltpu.CompilerParams(
            needs_layout_passes=False, use_tc_tiling_on_sc=True),
        scratch_types=[
            pltpu.VMEM((max(num_types, 128),), jnp.float32),
            pltpu.VMEM((chunk_rows, lanes_per_w), jnp.int32),
            pltpu.VMEM((chunk_rows, lanes_per_w), jnp.int32),
            pltpu.VMEM((chunk_rows, lanes_per_w), jnp.float32),
            pltpu.VMEM((chunk_rows, lanes_per_w), jnp.float32),
            pltpu.VMEM((chunk_rows, lanes_per_w), jnp.float32),
            pltpu.VMEM((chunk_rows, lanes_per_w), jnp.float32),
            pltpu.SemaphoreType.DMA,
            pltpu.SemaphoreType.DMA,
            pltpu.SemaphoreType.DMA,
            pltpu.SemaphoreType.DMA,
            pltpu.SemaphoreType.DMA,
            pltpu.SemaphoreType.DMA,
        ],
    )
    def run(num_hbm, eng_hbm, tab_hbm, out_hbm, tab_v,
            num0, num1, eng0, eng1, out0, out1,
            ns0, ns1, es0, es1, ss0, ss1):
        nums, engs, outs = (num0, num1), (eng0, eng1), (out0, out1)
        nsem, esem, ssem = (ns0, ns1), (es0, es1), (ss0, ss1)
        wid = lax.axis_index("s") * nc + lax.axis_index("c")
        lane0 = wid * lanes_per_w
        pltpu.sync_copy(tab_hbm, tab_v.at[pl.ds(0, num_types)])

        def hslice(c):
            return (pl.ds(c * chunk_rows, chunk_rows), pl.ds(lane0, lanes_per_w))

        def issue_loads(c, b):
            s = hslice(c)
            pltpu.async_copy(num_hbm.at[s], nums[b], nsem[b])
            pltpu.async_copy(eng_hbm.at[s], engs[b], esem[b])

        def wait_loads(c, b):
            s = hslice(c)
            pltpu.make_async_copy(num_hbm.at[s], nums[b], nsem[b]).wait()
            pltpu.make_async_copy(eng_hbm.at[s], engs[b], esem[b]).wait()

        n_sub = chunk_rows // _SUBLANES

        def wait_store(c, b):
            for sub in range(n_sub):
                sub_s = (pl.ds(c * chunk_rows + sub * _SUBLANES, _SUBLANES),
                         pl.ds(lane0, lanes_per_w))
                pltpu.make_async_copy(
                    outs[b].at[pl.ds(sub * _SUBLANES, _SUBLANES)],
                    out_hbm.at[sub_s], ssem[b]).wait()

        def compute_store(c, b):
            nv, ev, ov = nums[b], engs[b], outs[b]
            for sub in range(n_sub):
                @plsc.parallel_loop(0, lanes_per_w, step=_LANES, unroll=4)
                def body(cs):
                    for r in range(sub * _SUBLANES, (sub + 1) * _SUBLANES):
                        s = (r, pl.ds(cs, _LANES))
                        vals = plsc.load_gather(tab_v, [nv[s]])
                        ov[s] = ev[s] + vals
                sub_s = (pl.ds(c * chunk_rows + sub * _SUBLANES, _SUBLANES),
                         pl.ds(lane0, lanes_per_w))
                pltpu.async_copy(
                    ov.at[pl.ds(sub * _SUBLANES, _SUBLANES)],
                    out_hbm.at[sub_s], ssem[b])

        issue_loads(0, 0)

        def pair(g, carry):
            for b in range(2):
                c = 2 * g + b

                @pl.when(c + 1 < n_chunks)
                def _():
                    issue_loads(c + 1, 1 - b)

                wait_loads(c, b)

                @pl.when(c >= 2)
                def _():
                    wait_store(c - 2, b)

                compute_store(c, b)
            return carry

        lax.fori_loop(0, n_chunks // 2, pair, 0)
        if n_chunks % 2:
            c = n_chunks - 1
            wait_loads(c, 0)
            wait_store(c - 2, 0)
            compute_store(c, 0)
        wait_store(n_chunks - 1, (n_chunks - 1) % 2)
        wait_store(n_chunks - 2, (n_chunks - 2) % 2)

    return run


def kernel(numbers, energy, shifts_weight):
    b, l = energy.shape
    tab_flat = shifts_weight.reshape(-1)
    out_t = _make_kernel(l, b, tab_flat.shape[0])(
        numbers.astype(jnp.int32).T, energy.T, tab_flat)
    return out_t.T

# --- scband reference (transcript-rebuilt; emitter-appended) ---
"""Pipeline reference for scband-atomic-shift-3324304687723 (READ-ONLY COPY).

The authoritative reference and input builder live on the scoring server;
editing this copy changes nothing except your own understanding.
"""

import jax, jax.numpy as jnp
import numpy as np

NUM_TYPES = 64
B, L = 16384, 200

def setup_inputs(seed: int = 0) -> dict:
    key = jax.random.key(seed)
    k1, k2, k3 = jax.random.split(key, 3)
    numbers = jax.random.randint(k1, (B, L), 0, NUM_TYPES, dtype=jnp.int64) if jax.config.jax_enable_x64 else jax.random.randint(k1, (B, L), 0, NUM_TYPES, dtype=jnp.int32)
    energy = jax.random.normal(k2, (B, L), dtype=jnp.float32)
    # nn.Embedding(num_types, 1, padding_idx=0): weight ~ N(0,1), row 0 zeroed
    shifts_weight = jax.random.normal(k3, (NUM_TYPES, 1), dtype=jnp.float32)
    shifts_weight = shifts_weight.at[0].set(0.0)
    return {"numbers": numbers, "energy": energy, "shifts_weight": shifts_weight}

def reference(numbers, energy, shifts_weight):
    # shifts = self.shifts(data['numbers']).squeeze(-1)
    shifts = jnp.take(shifts_weight, numbers, axis=0)  # [B, L, 1]
    shifts = jnp.squeeze(shifts, axis=-1)              # [B, L]
    # reduce_sum=False branch
    # data[key_out] = data[key_in] + shifts
    out = energy + shifts
    return out

if __name__ == "__main__":
    import jax
    _d = setup_inputs()
    print(jax.jit(kernel)(*tuple(_d.values())))

</pallas_src>

<mosaic_0001>
#map = affine_map<(d0, d1) -> (0, 0)>
#map1 = affine_map<(d0, d1) -> (0)>
module attributes {stable_mosaic.version = 14 : i64} {
  func.func @run(%arg0: i32, %arg1: i32, %arg2: memref<200x16384xi32, #tpu.memory_space<hbm>>, %arg3: memref<200x16384xf32, #tpu.memory_space<hbm>>, %arg4: memref<64xf32, #tpu.memory_space<hbm>>, %arg5: memref<200x16384xf32, #tpu.memory_space<hbm>>, %arg6: memref<128xf32, #tpu.memory_space<vmem>>, %arg7: memref<8x512xi32, #tpu.memory_space<vmem>>, %arg8: memref<8x512xi32, #tpu.memory_space<vmem>>, %arg9: memref<8x512xf32, #tpu.memory_space<vmem>>, %arg10: memref<8x512xf32, #tpu.memory_space<vmem>>, %arg11: memref<8x512xf32, #tpu.memory_space<vmem>>, %arg12: memref<8x512xf32, #tpu.memory_space<vmem>>, %arg13: memref<!tpu.dma_semaphore, #tpu.memory_space<semaphore_mem>>, %arg14: memref<!tpu.dma_semaphore, #tpu.memory_space<semaphore_mem>>, %arg15: memref<!tpu.dma_semaphore, #tpu.memory_space<semaphore_mem>>, %arg16: memref<!tpu.dma_semaphore, #tpu.memory_space<semaphore_mem>>, %arg17: memref<!tpu.dma_semaphore, #tpu.memory_space<semaphore_mem>>, %arg18: memref<!tpu.dma_semaphore, #tpu.memory_space<semaphore_mem>>) attributes {dimension_semantics = [#tpu.dimension_semantics<core_parallel>, #tpu.dimension_semantics<subcore_parallel>], iteration_bounds = array<i64: 2, 16>, scalar_prefetch = 0 : i64, scratch_operands = 13 : i64, tpu.core_type = #tpu.core_type<sc_vector_subcore>, window_params = [{transform_indices = #map}, {transform_indices = #map}, {transform_indices = #map1}, {transform_indices = #map}]} {
    %mul3A = arith.constant 2 : i32
    %mul3A_0 = arith.muli %arg1, %mul3A : i32
    %add3A = arith.addi %mul3A_0, %arg0 : i32
    %mul3A_1 = arith.constant 512 : i32
    %mul3A_2 = arith.muli %add3A, %mul3A_1 : i32
    "tpu.region"() ({
      %run_scoped3A = tpu.sem_alloc : memref<!tpu.dma_semaphore, #tpu.memory_space<semaphore_mem>>
      %dma_start3A_64 = arith.constant 0 : i32
      %dma_start3A_65 = tpu.memref_slice %arg6[%dma_start3A_64] : memref<128xf32, #tpu.memory_space<vmem>> -> memref<64xf32, #tpu.memory_space<vmem>>
      %dma_start3A_66 = arith.constant 0 : i32
      %dma_start3A_67 = tpu.memref_slice %arg6[%dma_start3A_66] : memref<128xf32, #tpu.memory_space<vmem>> -> memref<64xf32, #tpu.memory_space<vmem>>
      tpu.enqueue_dma source(%arg4 : memref<64xf32, #tpu.memory_space<hbm>>) target(%dma_start3A_67 : memref<64xf32, #tpu.memory_space<vmem>>) target_semaphore(%run_scoped3A : memref<!tpu.dma_semaphore, #tpu.memory_space<semaphore_mem>>)
      %dma_wait3A_68 = arith.constant 0 : i32
      %dma_wait3A_69 = tpu.memref_slice %arg6[%dma_wait3A_68] : memref<128xf32, #tpu.memory_space<vmem>> -> memref<64xf32, #tpu.memory_space<vmem>>
      %dma_wait3A_70 = arith.constant 0 : i32
      %dma_wait3A_71 = tpu.memref_slice %arg6[%dma_wait3A_70] : memref<128xf32, #tpu.memory_space<vmem>> -> memref<64xf32, #tpu.memory_space<vmem>>
      tpu.wait_dma2 semaphore(%run_scoped3A : memref<!tpu.dma_semaphore, #tpu.memory_space<semaphore_mem>>) src(%arg4 : memref<64xf32, #tpu.memory_space<hbm>>) dst(%dma_wait3A_71 : memref<64xf32, #tpu.memory_space<vmem>>)
      tpu.yield
    }) : () -> ()
    %dma_start3A = arith.constant 0 : i32
    %dma_start3A_3 = tpu.memref_slice %arg2[%dma_start3A, %mul3A_2] : memref<200x16384xi32, #tpu.memory_space<hbm>> -> memref<8x512xi32, #tpu.memory_space<hbm>>
    %dma_start3A_4 = arith.constant 0 : i32
    %dma_start3A_5 = tpu.memref_slice %arg2[%dma_start3A_4, %mul3A_2] : memref<200x16384xi32, #tpu.memory_space<hbm>> -> memref<8x512xi32, #tpu.memory_space<hbm>>
    tpu.enqueue_dma source(%dma_start3A_5 : memref<8x512xi32, #tpu.memory_space<hbm>>) target(%arg7 : memref<8x512xi32, #tpu.memory_space<vmem>>) target_semaphore(%arg13 : memref<!tpu.dma_semaphore, #tpu.memory_space<semaphore_mem>>)
    %dma_start3A_6 = arith.constant 0 : i32
    %dma_start3A_7 = tpu.memref_slice %arg3[%dma_start3A_6, %mul3A_2] : memref<200x16384xf32, #tpu.memory_space<hbm>> -> memref<8x512xf32, #tpu.memory_space<hbm>>
    %dma_start3A_8 = arith.constant 0 : i32
    %dma_start3A_9 = tpu.memref_slice %arg3[%dma_start3A_8, %mul3A_2] : memref<200x16384xf32, #tpu.memory_space<hbm>> -> memref<8x512xf32, #tpu.memory_space<hbm>>
    tpu.enqueue_dma source(%dma_start3A_9 : memref<8x512xf32, #tpu.memory_space<hbm>>) target(%arg9 : memref<8x512xf32, #tpu.memory_space<vmem>>) target_semaphore(%arg15 : memref<!tpu.dma_semaphore, #tpu.memory_space<semaphore_mem>>)
    %scan3A = arith.constant 0 : i32
    %scan3A_10 = arith.constant 0 : i32
    %scan3A_11 = arith.constant 12 : i32
    %scan3A_12 = arith.addi %scan3A_10, %scan3A_11 : i32
    %scan3A_13 = arith.constant 1 : i32
    scf.for %scan3A_64 = %scan3A_10 to %scan3A_12 step %scan3A_13  : i32 {
      %mul3A_65 = arith.constant 2 : i32
      %mul3A_66 = arith.muli %mul3A_65, %scan3A_64 : i32
      %add3A_67 = arith.constant 0 : i32
      %add3A_68 = arith.addi %mul3A_66, %add3A_67 : i32
      %add3A_69 = arith.constant 1 : i32
      %add3A_70 = arith.addi %add3A_68, %add3A_69 : i32
      %lt3A = arith.constant 25 : i32
      %lt3A_71 = arith.cmpi slt, %add3A_70, %lt3A : i32
      %convert_element_type3A = arith.extui %lt3A_71 : i1 to i32
      %cond3A = arith.constant 0 : i32
      %cond3A_72 = arith.cmpi ne, %convert_element_type3A, %cond3A : i32
      scf.if %cond3A_72 {
        %add3A_135 = arith.constant 1 : i32
        %add3A_136 = arith.addi %add3A_68, %add3A_135 : i32
        %mul3A_137 = arith.constant 8 : i32
        %mul3A_138 = arith.muli %add3A_136, %mul3A_137 : i32
        %dma_start3A_139 = tpu.memref_slice %arg2[%mul3A_138, %mul3A_2] : memref<200x16384xi32, #tpu.memory_space<hbm>> -> memref<8x512xi32, #tpu.memory_space<hbm>>
        %dma_start3A_140 = tpu.memref_slice %arg2[%mul3A_138, %mul3A_2] : memref<200x16384xi32, #tpu.memory_space<hbm>> -> memref<8x512xi32, #tpu.memory_space<hbm>>
        tpu.enqueue_dma source(%dma_start3A_140 : memref<8x512xi32, #tpu.memory_space<hbm>>) target(%arg8 : memref<8x512xi32, #tpu.memory_space<vmem>>) target_semaphore(%arg14 : memref<!tpu.dma_semaphore, #tpu.memory_space<semaphore_mem>>)
        %dma_start3A_141 = tpu.memref_slice %arg3[%mul3A_138, %mul3A_2] : memref<200x16384xf32, #tpu.memory_space<hbm>> -> memref<8x512xf32, #tpu.memory_space<hbm>>
        %dma_start3A_142 = tpu.memref_slice %arg3[%mul3A_138, %mul3A_2] : memref<200x16384xf32, #tpu.memory_space<hbm>> -> memref<8x512xf32, #tpu.memory_space<hbm>>
        tpu.enqueue_dma source(%dma_start3A_142 : memref<8x512xf32, #tpu.memory_space<hbm>>) target(%arg10 : memref<8x512xf32, #tpu.memory_space<vmem>>) target_semaphore(%arg16 : memref<!tpu.dma_semaphore, #tpu.memory_space<semaphore_mem>>)
      } else {
      }
      %mul3A_73 = arith.constant 8 : i32
      %mul3A_74 = arith.muli %add3A_68, %mul3A_73 : i32
      %dma_wait3A_75 = tpu.memref_slice %arg2[%mul3A_74, %mul3A_2] : memref<200x16384xi32, #tpu.memory_space<hbm>> -> memref<8x512xi32, #tpu.memory_space<hbm>>
      %dma_wait3A_76 = tpu.memref_slice %arg2[%mul3A_74, %mul3A_2] : memref<200x16384xi32, #tpu.memory_space<hbm>> -> memref<8x512xi32, #tpu.memory_space<hbm>>
      tpu.wait_dma2 semaphore(%arg13 : memref<!tpu.dma_semaphore, #tpu.memory_space<semaphore_mem>>) src(%dma_wait3A_76 : memref<8x512xi32, #tpu.memory_space<hbm>>) dst(%arg7 : memref<8x512xi32, #tpu.memory_space<vmem>>)
      %dma_wait3A_77 = tpu.memref_slice %arg3[%mul3A_74, %mul3A_2] : memref<200x16384xf32, #tpu.memory_space<hbm>> -> memref<8x512xf32, #tpu.memory_space<hbm>>
      %dma_wait3A_78 = tpu.memref_slice %arg3[%mul3A_74, %mul3A_2] : memref<200x16384xf32, #tpu.memory_space<hbm>> -> memref<8x512xf32, #tpu.memory_space<hbm>>
      tpu.wait_dma2 semaphore(%arg15 : memref<!tpu.dma_semaphore, #tpu.memory_space<semaphore_mem>>) src(%dma_wait3A_78 : memref<8x512xf32, #tpu.memory_space<hbm>>) dst(%arg9 : memref<8x512xf32, #tpu.memory_space<vmem>>)
      %ge3A = arith.constant 2 : i32
      %ge3A_79 = arith.cmpi sge, %add3A_68, %ge3A : i32
      %convert_element_type3A_80 = arith.extui %ge3A_79 : i1 to i32
      %cond3A_81 = arith.constant 0 : i32
      %cond3A_82 = arith.cmpi ne, %convert_element_type3A_80, %cond3A_81 : i32
      scf.if %cond3A_82 {
        %sub3A = arith.constant 2 : i32
        %sub3A_135 = arith.subi %add3A_68, %sub3A : i32
        %mul3A_136 = arith.constant 8 : i32
        %mul3A_137 = arith.muli %sub3A_135, %mul3A_136 : i32
        %add3A_138 = arith.constant 0 : i32
        %add3A_139 = arith.addi %mul3A_137, %add3A_138 : i32
        %dma_wait3A_140 = arith.constant 0 : i32
        %dma_wait3A_141 = arith.constant 0 : i32
        %dma_wait3A_142 = tpu.memref_slice %arg11[%dma_wait3A_140, %dma_wait3A_141] : memref<8x512xf32, #tpu.memory_space<vmem>> -> memref<8x512xf32, #tpu.memory_space<vmem>>
        %dma_wait3A_143 = tpu.memref_slice %arg5[%add3A_139, %mul3A_2] : memref<200x16384xf32, #tpu.memory_space<hbm>> -> memref<8x512xf32, #tpu.memory_space<hbm>>
        %dma_wait3A_144 = tpu.memref_slice %arg5[%add3A_139, %mul3A_2] : memref<200x16384xf32, #tpu.memory_space<hbm>> -> memref<8x512xf32, #tpu.memory_space<hbm>>
        %dma_wait3A_145 = arith.constant 0 : i32
        %dma_wait3A_146 = arith.constant 0 : i32
        %dma_wait3A_147 = tpu.memref_slice %arg11[%dma_wait3A_145, %dma_wait3A_146] : memref<8x512xf32, #tpu.memory_space<vmem>> -> memref<8x512xf32, #tpu.memory_space<vmem>>
        tpu.wait_dma2 semaphore(%arg17 : memref<!tpu.dma_semaphore, #tpu.memory_space<semaphore_mem>>) src(%dma_wait3A_147 : memref<8x512xf32, #tpu.memory_space<vmem>>) dst(%dma_wait3A_144 : memref<8x512xf32, #tpu.memory_space<hbm>>)
      } else {
      }
      %parallel_loop3A_83 = arith.constant 0 : i32
      %parallel_loop3A_84 = arith.constant 512 : i32
      %parallel_loop3A_85 = arith.constant 16 : i32
      scf.for %parallel_loop3A_135 = %parallel_loop3A_83 to %parallel_loop3A_84 step %parallel_loop3A_85  : i32 {
        %parallel_loop3A_136 = arith.constant 0 : i32
        %parallel_loop3A_137 = arith.index_cast %parallel_loop3A_136 : i32 to index
        %parallel_loop3A_138 = arith.index_cast %parallel_loop3A_135 : i32 to index
        %parallel_loop3A_139 = tpu.vector_load %arg7[%parallel_loop3A_137, %parallel_loop3A_138] {strides = array<i32>} : memref<8x512xi32, #tpu.memory_space<vmem>>, vector<16xi32>,
        %parallel_loop3A_140 = tpu.vector_load_idx %arg6[%parallel_loop3A_139] : memref<128xf32, #tpu.memory_space<vmem>>[vector<16xi32>], vector<16xf32>,
        %parallel_loop3A_141 = arith.constant 0 : i32
        %parallel_loop3A_142 = arith.index_cast %parallel_loop3A_141 : i32 to index
        %parallel_loop3A_143 = arith.index_cast %parallel_loop3A_135 : i32 to index
        %parallel_loop3A_144 = tpu.vector_load %arg9[%parallel_loop3A_142, %parallel_loop3A_143] {strides = array<i32>} : memref<8x512xf32, #tpu.memory_space<vmem>>, vector<16xf32>,
        %parallel_loop3A_145 = arith.addf %parallel_loop3A_144, %parallel_loop3A_140 : vector<16xf32>
        %parallel_loop3A_146 = arith.constant 0 : i32
        %parallel_loop3A_147 = arith.index_cast %parallel_loop3A_146 : i32 to index
        %parallel_loop3A_148 = arith.index_cast %parallel_loop3A_135 : i32 to index
        %parallel_loop3A_149 = tpu.vector_load %arg11[%parallel_loop3A_147, %parallel_loop3A_148] {strides = array<i32>} : memref<8x512xf32, #tpu.memory_space<vmem>>, vector<16xf32>,
        tpu.vector_store %arg11[%parallel_loop3A_147, %parallel_loop3A_148], %parallel_loop3A_145 {strides = array<i32>} : memref<8x512xf32, #tpu.memory_space<vmem>>, vector<16xf32>,
        %parallel_loop3A_150 = arith.constant 1 : i32
        %parallel_loop3A_151 = arith.index_cast %parallel_loop3A_150 : i32 to index
        %parallel_loop3A_152 = arith.index_cast %parallel_loop3A_135 : i32 to index
        %parallel_loop3A_153 = tpu.vector_load %arg7[%parallel_loop3A_151, %parallel_loop3A_152] {strides = array<i32>} : memref<8x512xi32, #tpu.memory_space<vmem>>, vector<16xi32>,
        %parallel_loop3A_154 = tpu.vector_load_idx %arg6[%parallel_loop3A_153] : memref<128xf32, #tpu.memory_space<vmem>>[vector<16xi32>], vector<16xf32>,
        %parallel_loop3A_155 = arith.constant 1 : i32
        %parallel_loop3A_156 = arith.index_cast %parallel_loop3A_155 : i32 to index
        %parallel_loop3A_157 = arith.index_cast %parallel_loop3A_135 : i32 to index
        %parallel_loop3A_158 = tpu.vector_load %arg9[%parallel_loop3A_156, %parallel_loop3A_157] {strides = array<i32>} : memref<8x512xf32, #tpu.memory_space<vmem>>, vector<16xf32>,
        %parallel_loop3A_159 = arith.addf %parallel_loop3A_158, %parallel_loop3A_154 : vector<16xf32>
        %parallel_loop3A_160 = arith.constant 1 : i32
        %parallel_loop3A_161 = arith.index_cast %parallel_loop3A_160 : i32 to index
        %parallel_loop3A_162 = arith.index_cast %parallel_loop3A_135 : i32 to index
        %parallel_loop3A_163 = tpu.vector_load %arg11[%parallel_loop3A_161, %parallel_loop3A_162] {strides = array<i32>} : memref<8x512xf32, #tpu.memory_space<vmem>>, vector<16xf32>,
        tpu.vector_store %arg11[%parallel_loop3A_161, %parallel_loop3A_162], %parallel_loop3A_159 {strides = array<i32>} : memref<8x512xf32, #tpu.memory_space<vmem>>, vector<16xf32>,
        %parallel_loop3A_164 = arith.constant 2 : i32
        %parallel_loop3A_165 = arith.index_cast %parallel_loop3A_164 : i32 to index
        %parallel_loop3A_166 = arith.index_cast %parallel_loop3A_135 : i32 to index
        %parallel_loop3A_167 = tpu.vector_load %arg7[%parallel_loop3A_165, %parallel_loop3A_166] {strides = array<i32>} : memref<8x512xi32, #tpu.memory_space<vmem>>, vector<16xi32>,
        %parallel_loop3A_168 = tpu.vector_load_idx %arg6[%parallel_loop3A_167] : memref<128xf32, #tpu.memory_space<vmem>>[vector<16xi32>], vector<16xf32>,
        %parallel_loop3A_169 = arith.constant 2 : i32
        %parallel_loop3A_170 = arith.index_cast %parallel_loop3A_169 : i32 to index
        %parallel_loop3A_171 = arith.index_cast %parallel_loop3A_135 : i32 to index
        %parallel_loop3A_172 = tpu.vector_load %arg9[%parallel_loop3A_170, %parallel_loop3A_171] {strides = array<i32>} : memref<8x512xf32, #tpu.memory_space<vmem>>, vector<16xf32>,
        %parallel_loop3A_173 = arith.addf %parallel_loop3A_172, %parallel_loop3A_168 : vector<16xf32>
        %parallel_loop3A_174 = arith.constant 2 : i32
        %parallel_loop3A_175 = arith.index_cast %parallel_loop3A_174 : i32 to index
        %parallel_loop3A_176 = arith.index_cast %parallel_loop3A_135 : i32 to index
        %parallel_loop3A_177 = tpu.vector_load %arg11[%parallel_loop3A_175, %parallel_loop3A_176] {strides = array<i32>} : memref<8x512xf32, #tpu.memory_space<vmem>>, vector<16xf32>,
        tpu.vector_store %arg11[%parallel_loop3A_175, %parallel_loop3A_176], %parallel_loop3A_173 {strides = array<i32>} : memref<8x512xf32, #tpu.memory_space<vmem>>, vector<16xf32>,
        %parallel_loop3A_178 = arith.constant 3 : i32
        %parallel_loop3A_179 = arith.index_cast %parallel_loop3A_178 : i32 to index
        %parallel_loop3A_180 = arith.index_cast %parallel_loop3A_135 : i32 to index
        %parallel_loop3A_181 = tpu.vector_load %arg7[%parallel_loop3A_179, %parallel_loop3A_180] {strides = array<i32>} : memref<8x512xi32, #tpu.memory_space<vmem>>, vector<16xi32>,
        %parallel_loop3A_182 = tpu.vector_load_idx %arg6[%parallel_loop3A_181] : memref<128xf32, #tpu.memory_space<vmem>>[vector<16xi32>], vector<16xf32>,
        %parallel_loop3A_183 = arith.constant 3 : i32
        %parallel_loop3A_184 = arith.index_cast %parallel_loop3A_183 : i32 to index
        %parallel_loop3A_185 = arith.index_cast %parallel_loop3A_135 : i32 to index
        %parallel_loop3A_186 = tpu.vector_load %arg9[%parallel_loop3A_184, %parallel_loop3A_185] {strides = array<i32>} : memref<8x512xf32, #tpu.memory_space<vmem>>, vector<16xf32>,
        %parallel_loop3A_187 = arith.addf %parallel_loop3A_186, %parallel_loop3A_182 : vector<16xf32>
        %parallel_loop3A_188 = arith.constant 3 : i32
        %parallel_loop3A_189 = arith.index_cast %parallel_loop3A_188 : i32 to index
        %parallel_loop3A_190 = arith.index_cast %parallel_loop3A_135 : i32 to index
        %parallel_loop3A_191 = tpu.vector_load %arg11[%parallel_loop3A_189, %parallel_loop3A_190] {strides = array<i32>} : memref<8x512xf32, #tpu.memory_space<vmem>>, vector<16xf32>,
        tpu.vector_store %arg11[%parallel_loop3A_189, %parallel_loop3A_190], %parallel_loop3A_187 {strides = array<i32>} : memref<8x512xf32, #tpu.memory_space<vmem>>, vector<16xf32>,
        %parallel_loop3A_192 = arith.constant 4 : i32
        %parallel_loop3A_193 = arith.index_cast %parallel_loop3A_192 : i32 to index
        %parallel_loop3A_194 = arith.index_cast %parallel_loop3A_135 : i32 to index
        %parallel_loop3A_195 = tpu.vector_load %arg7[%parallel_loop3A_193, %parallel_loop3A_194] {strides = array<i32>} : memref<8x512xi32, #tpu.memory_space<vmem>>, vector<16xi32>,
        %parallel_loop3A_196 = tpu.vector_load_idx %arg6[%parallel_loop3A_195] : memref<128xf32, #tpu.memory_space<vmem>>[vector<16xi32>], vector<16xf32>,
        %parallel_loop3A_197 = arith.constant 4 : i32
        %parallel_loop3A_198 = arith.index_cast %parallel_loop3A_197 : i32 to index
        %parallel_loop3A_199 = arith.index_cast %parallel_loop3A_135 : i32 to index
        %parallel_loop3A_200 = tpu.vector_load %arg9[%parallel_loop3A_198, %parallel_loop3A_199] {strides = array<i32>} : memref<8x512xf32, #tpu.memory_space<vmem>>, vector<16xf32>,
        %parallel_loop3A_201 = arith.addf %parallel_loop3A_200, %parallel_loop3A_196 : vector<16xf32>
        %parallel_loop3A_202 = arith.constant 4 : i32
        %parallel_loop3A_203 = arith.index_cast %parallel_loop3A_202 : i32 to index
        %parallel_loop3A_204 = arith.index_cast %parallel_loop3A_135 : i32 to index
        %parallel_loop3A_205 = tpu.vector_load %arg11[%parallel_loop3A_203, %parallel_loop3A_204] {strides = array<i32>} : memref<8x512xf32, #tpu.memory_space<vmem>>, vector<16xf32>,
        tpu.vector_store %arg11[%parallel_loop3A_203, %parallel_loop3A_204], %parallel_loop3A_201 {strides = array<i32>} : memref<8x512xf32, #tpu.memory_space<vmem>>, vector<16xf32>,
        %parallel_loop3A_206 = arith.constant 5 : i32
        %parallel_loop3A_207 = arith.index_cast %parallel_loop3A_206 : i32 to index
        %parallel_loop3A_208 = arith.index_cast %parallel_loop3A_135 : i32 to index
        %parallel_loop3A_209 = tpu.vector_load %arg7[%parallel_loop3A_207, %parallel_loop3A_208] {strides = array<i32>} : memref<8x512xi32, #tpu.memory_space<vmem>>, vector<16xi32>,
        %parallel_loop3A_210 = tpu.vector_load_idx %arg6[%parallel_loop3A_209] : memref<128xf32, #tpu.memory_space<vmem>>[vector<16xi32>], vector<16xf32>,
        %parallel_loop3A_211 = arith.constant 5 : i32
        %parallel_loop3A_212 = arith.index_cast %parallel_loop3A_211 : i32 to index
        %parallel_loop3A_213 = arith.index_cast %parallel_loop3A_135 : i32 to index
        %parallel_loop3A_214 = tpu.vector_load %arg9[%parallel_loop3A_212, %parallel_loop3A_213] {strides = array<i32>} : memref<8x512xf32, #tpu.memory_space<vmem>>, vector<16xf32>,
        %parallel_loop3A_215 = arith.addf %parallel_loop3A_214, %parallel_loop3A_210 : vector<16xf32>
        %parallel_loop3A_216 = arith.constant 5 : i32
        %parallel_loop3A_217 = arith.index_cast %parallel_loop3A_216 : i32 to index
        %parallel_loop3A_218 = arith.index_cast %parallel_loop3A_135 : i32 to index
        %parallel_loop3A_219 = tpu.vector_load %arg11[%parallel_loop3A_217, %parallel_loop3A_218] {strides = array<i32>} : memref<8x512xf32, #tpu.memory_space<vmem>>, vector<16xf32>,
        tpu.vector_store %arg11[%parallel_loop3A_217, %parallel_loop3A_218], %parallel_loop3A_215 {strides = array<i32>} : memref<8x512xf32, #tpu.memory_space<vmem>>, vector<16xf32>,
        %parallel_loop3A_220 = arith.constant 6 : i32
        %parallel_loop3A_221 = arith.index_cast %parallel_loop3A_220 : i32 to index
        %parallel_loop3A_222 = arith.index_cast %parallel_loop3A_135 : i32 to index
        %parallel_loop3A_223 = tpu.vector_load %arg7[%parallel_loop3A_221, %parallel_loop3A_222] {strides = array<i32>} : memref<8x512xi32, #tpu.memory_space<vmem>>, vector<16xi32>,
        %parallel_loop3A_224 = tpu.vector_load_idx %arg6[%parallel_loop3A_223] : memref<128xf32, #tpu.memory_space<vmem>>[vector<16xi32>], vector<16xf32>,
        %parallel_loop3A_225 = arith.constant 6 : i32
        %parallel_loop3A_226 = arith.index_cast %parallel_loop3A_225 : i32 to index
        %parallel_loop3A_227 = arith.index_cast %parallel_loop3A_135 : i32 to index
        %parallel_loop3A_228 = tpu.vector_load %arg9[%parallel_loop3A_226, %parallel_loop3A_227] {strides = array<i32>} : memref<8x512xf32, #tpu.memory_space<vmem>>, vector<16xf32>,
        %parallel_loop3A_229 = arith.addf %parallel_loop3A_228, %parallel_loop3A_224 : vector<16xf32>
        %parallel_loop3A_230 = arith.constant 6 : i32
        %parallel_loop3A_231 = arith.index_cast %parallel_loop3A_230 : i32 to index
        %parallel_loop3A_232 = arith.index_cast %parallel_loop3A_135 : i32 to index
        %parallel_loop3A_233 = tpu.vector_load %arg11[%parallel_loop3A_231, %parallel_loop3A_232] {strides = array<i32>} : memref<8x512xf32, #tpu.memory_space<vmem>>, vector<16xf32>,
        tpu.vector_store %arg11[%parallel_loop3A_231, %parallel_loop3A_232], %parallel_loop3A_229 {strides = array<i32>} : memref<8x512xf32, #tpu.memory_space<vmem>>, vector<16xf32>,
        %parallel_loop3A_234 = arith.constant 7 : i32
        %parallel_loop3A_235 = arith.index_cast %parallel_loop3A_234 : i32 to index
        %parallel_loop3A_236 = arith.index_cast %parallel_loop3A_135 : i32 to index
        %parallel_loop3A_237 = tpu.vector_load %arg7[%parallel_loop3A_235, %parallel_loop3A_236] {strides = array<i32>} : memref<8x512xi32, #tpu.memory_space<vmem>>, vector<16xi32>,
        %parallel_loop3A_238 = tpu.vector_load_idx %arg6[%parallel_loop3A_237] : memref<128xf32, #tpu.memory_space<vmem>>[vector<16xi32>], vector<16xf32>,
        %parallel_loop3A_239 = arith.constant 7 : i32
        %parallel_loop3A_240 = arith.index_cast %parallel_loop3A_239 : i32 to index
        %parallel_loop3A_241 = arith.index_cast %parallel_loop3A_135 : i32 to index
        %parallel_loop3A_242 = tpu.vector_load %arg9[%parallel_loop3A_240, %parallel_loop3A_241] {strides = array<i32>} : memref<8x512xf32, #tpu.memory_space<vmem>>, vector<16xf32>,
        %parallel_loop3A_243 = arith.addf %parallel_loop3A_242, %parallel_loop3A_238 : vector<16xf32>
        %parallel_loop3A_244 = arith.constant 7 : i32
        %parallel_loop3A_245 = arith.index_cast %parallel_loop3A_244 : i32 to index
        %parallel_loop3A_246 = arith.index_cast %parallel_loop3A_135 : i32 to index
        %parallel_loop3A_247 = tpu.vector_load %arg11[%parallel_loop3A_245, %parallel_loop3A_246] {strides = array<i32>} : memref<8x512xf32, #tpu.memory_space<vmem>>, vector<16xf32>,
        tpu.vector_store %arg11[%parallel_loop3A_245, %parallel_loop3A_246], %parallel_loop3A_243 {strides = array<i32>} : memref<8x512xf32, #tpu.memory_space<vmem>>, vector<16xf32>,
      } {sc.loop_unroll_factor = 4 : i64, sc.parallel_access}
      %mul3A_86 = arith.constant 8 : i32
      %mul3A_87 = arith.muli %add3A_68, %mul3A_86 : i32
      %add3A_88 = arith.constant 0 : i32
      %add3A_89 = arith.addi %mul3A_87, %add3A_88 : i32
      %dma_start3A_90 = arith.constant 0 : i32
      %dma_start3A_91 = arith.constant 0 : i32
      %dma_start3A_92 = tpu.memref_slice %arg11[%dma_start3A_90, %dma_start3A_91] : memref<8x512xf32, #tpu.memory_space<vmem>> -> memref<8x512xf32, #tpu.memory_space<vmem>>
      %dma_start3A_93 = tpu.memref_slice %arg5[%add3A_89, %mul3A_2] : memref<200x16384xf32, #tpu.memory_space<hbm>> -> memref<8x512xf32, #tpu.memory_space<hbm>>
      %dma_start3A_94 = tpu.memref_slice %arg5[%add3A_89, %mul3A_2] : memref<200x16384xf32, #tpu.memory_space<hbm>> -> memref<8x512xf32, #tpu.memory_space<hbm>>
      %dma_start3A_95 = arith.constant 0 : i32
      %dma_start3A_96 = arith.constant 0 : i32
      %dma_start3A_97 = tpu.memref_slice %arg11[%dma_start3A_95, %dma_start3A_96] : memref<8x512xf32, #tpu.memory_space<vmem>> -> memref<8x512xf32, #tpu.memory_space<vmem>>
      tpu.enqueue_dma source(%dma_start3A_97 : memref<8x512xf32, #tpu.memory_space<vmem>>) target(%dma_start3A_94 : memref<8x512xf32, #tpu.memory_space<hbm>>) target_semaphore(%arg17 : memref<!tpu.dma_semaphore, #tpu.memory_space<semaphore_mem>>)
      %mul3A_98 = arith.constant 2 : i32
      %mul3A_99 = arith.muli %mul3A_98, %scan3A_64 : i32
      %add3A_100 = arith.constant 1 : i32
      %add3A_101 = arith.addi %mul3A_99, %add3A_100 : i32
      %add3A_102 = arith.constant 1 : i32
      %add3A_103 = arith.addi %add3A_101, %add3A_102 : i32
      %lt3A_104 = arith.constant 25 : i32
      %lt3A_105 = arith.cmpi slt, %add3A_103, %lt3A_104 : i32
      %convert_element_type3A_106 = arith.extui %lt3A_105 : i1 to i32
      %cond3A_107 = arith.constant 0 : i32
      %cond3A_108 = arith.cmpi ne, %convert_element_type3A_106, %cond3A_107 : i32
      scf.if %cond3A_108 {
        %add3A_135 = arith.constant 1 : i32
        %add3A_136 = arith.addi %add3A_101, %add3A_135 : i32
        %mul3A_137 = arith.constant 8 : i32
        %mul3A_138 = arith.muli %add3A_136, %mul3A_137 : i32
        %dma_start3A_139 = tpu.memref_slice %arg2[%mul3A_138, %mul3A_2] : memref<200x16384xi32, #tpu.memory_space<hbm>> -> memref<8x512xi32, #tpu.memory_space<hbm>>
        %dma_start3A_140 = tpu.memref_slice %arg2[%mul3A_138, %mul3A_2] : memref<200x16384xi32, #tpu.memory_space<hbm>> -> memref<8x512xi32, #tpu.memory_space<hbm>>
        tpu.enqueue_dma source(%dma_start3A_140 : memref<8x512xi32, #tpu.memory_space<hbm>>) target(%arg7 : memref<8x512xi32, #tpu.memory_space<vmem>>) target_semaphore(%arg13 : memref<!tpu.dma_semaphore, #tpu.memory_space<semaphore_mem>>)
        %dma_start3A_141 = tpu.memref_slice %arg3[%mul3A_138, %mul3A_2] : memref<200x16384xf32, #tpu.memory_space<hbm>> -> memref<8x512xf32, #tpu.memory_space<hbm>>
        %dma_start3A_142 = tpu.memref_slice %arg3[%mul3A_138, %mul3A_2] : memref<200x16384xf32, #tpu.memory_space<hbm>> -> memref<8x512xf32, #tpu.memory_space<hbm>>
        tpu.enqueue_dma source(%dma_start3A_142 : memref<8x512xf32, #tpu.memory_space<hbm>>) target(%arg9 : memref<8x512xf32, #tpu.memory_space<vmem>>) target_semaphore(%arg15 : memref<!tpu.dma_semaphore, #tpu.memory_space<semaphore_mem>>)
      } else {
      }
      %mul3A_109 = arith.constant 8 : i32
      %mul3A_110 = arith.muli %add3A_101, %mul3A_109 : i32
      %dma_wait3A_111 = tpu.memref_slice %arg2[%mul3A_110, %mul3A_2] : memref<200x16384xi32, #tpu.memory_space<hbm>> -> memref<8x512xi32, #tpu.memory_space<hbm>>
      %dma_wait3A_112 = tpu.memref_slice %arg2[%mul3A_110, %mul3A_2] : memref<200x16384xi32, #tpu.memory_space<hbm>> -> memref<8x512xi32, #tpu.memory_space<hbm>>
      tpu.wait_dma2 semaphore(%arg14 : memref<!tpu.dma_semaphore, #tpu.memory_space<semaphore_mem>>) src(%dma_wait3A_112 : memref<8x512xi32, #tpu.memory_space<hbm>>) dst(%arg8 : memref<8x512xi32, #tpu.memory_space<vmem>>)
      %dma_wait3A_113 = tpu.memref_slice %arg3[%mul3A_110, %mul3A_2] : memref<200x16384xf32, #tpu.memory_space<hbm>> -> memref<8x512xf32, #tpu.memory_space<hbm>>
      %dma_wait3A_114 = tpu.memref_slice %arg3[%mul3A_110, %mul3A_2] : memref<200x16384xf32, #tpu.memory_space<hbm>> -> memref<8x512xf32, #tpu.memory_space<hbm>>
      tpu.wait_dma2 semaphore(%arg16 : memref<!tpu.dma_semaphore, #tpu.memory_space<semaphore_mem>>) src(%dma_wait3A_114 : memref<8x512xf32, #tpu.memory_space<hbm>>) dst(%arg10 : memref<8x512xf32, #tpu.memory_space<vmem>>)
      %ge3A_115 = arith.constant 2 : i32
      %ge3A_116 = arith.cmpi sge, %add3A_101, %ge3A_115 : i32
      %convert_element_type3A_117 = arith.extui %ge3A_116 : i1 to i32
      %cond3A_118 = arith.constant 0 : i32
      %cond3A_119 = arith.cmpi ne, %convert_element_type3A_117, %cond3A_118 : i32
      scf.if %cond3A_119 {
        %sub3A = arith.constant 2 : i32
        %sub3A_135 = arith.subi %add3A_101, %sub3A : i32
        %mul3A_136 = arith.constant 8 : i32
        %mul3A_137 = arith.muli %sub3A_135, %mul3A_136 : i32
        %add3A_138 = arith.constant 0 : i32
        %add3A_139 = arith.addi %mul3A_137, %add3A_138 : i32
        %dma_wait3A_140 = arith.constant 0 : i32
        %dma_wait3A_141 = arith.constant 0 : i32
        %dma_wait3A_142 = tpu.memref_slice %arg12[%dma_wait3A_140, %dma_wait3A_141] : memref<8x512xf32, #tpu.memory_space<vmem>> -> memref<8x512xf32, #tpu.memory_space<vmem>>
        %dma_wait3A_143 = tpu.memref_slice %arg5[%add3A_139, %mul3A_2] : memref<200x16384xf32, #tpu.memory_space<hbm>> -> memref<8x512xf32, #tpu.memory_space<hbm>>
        %dma_wait3A_144 = tpu.memref_slice %arg5[%add3A_139, %mul3A_2] : memref<200x16384xf32, #tpu.memory_space<hbm>> -> memref<8x512xf32, #tpu.memory_space<hbm>>
        %dma_wait3A_145 = arith.constant 0 : i32
        %dma_wait3A_146 = arith.constant 0 : i32
        %dma_wait3A_147 = tpu.memref_slice %arg12[%dma_wait3A_145, %dma_wait3A_146] : memref<8x512xf32, #tpu.memory_space<vmem>> -> memref<8x512xf32, #tpu.memory_space<vmem>>
        tpu.wait_dma2 semaphore(%arg18 : memref<!tpu.dma_semaphore, #tpu.memory_space<semaphore_mem>>) src(%dma_wait3A_147 : memref<8x512xf32, #tpu.memory_space<vmem>>) dst(%dma_wait3A_144 : memref<8x512xf32, #tpu.memory_space<hbm>>)
      } else {
      }
      %parallel_loop3A_120 = arith.constant 0 : i32
      %parallel_loop3A_121 = arith.constant 512 : i32
      %parallel_loop3A_122 = arith.constant 16 : i32
      scf.for %parallel_loop3A_135 = %parallel_loop3A_120 to %parallel_loop3A_121 step %parallel_loop3A_122  : i32 {
        %parallel_loop3A_136 = arith.constant 0 : i32
        %parallel_loop3A_137 = arith.index_cast %parallel_loop3A_136 : i32 to index
        %parallel_loop3A_138 = arith.index_cast %parallel_loop3A_135 : i32 to index
        %parallel_loop3A_139 = tpu.vector_load %arg8[%parallel_loop3A_137, %parallel_loop3A_138] {strides = array<i32>} : memref<8x512xi32, #tpu.memory_space<vmem>>, vector<16xi32>,
        %parallel_loop3A_140 = tpu.vector_load_idx %arg6[%parallel_loop3A_139] : memref<128xf32, #tpu.memory_space<vmem>>[vector<16xi32>], vector<16xf32>,
        %parallel_loop3A_141 = arith.constant 0 : i32
        %parallel_loop3A_142 = arith.index_cast %parallel_loop3A_141 : i32 to index
        %parallel_loop3A_143 = arith.index_cast %parallel_loop3A_135 : i32 to index
        %parallel_loop3A_144 = tpu.vector_load %arg10[%parallel_loop3A_142, %parallel_loop3A_143] {strides = array<i32>} : memref<8x512xf32, #tpu.memory_space<vmem>>, vector<16xf32>,
        %parallel_loop3A_145 = arith.addf %parallel_loop3A_144, %parallel_loop3A_140 : vector<16xf32>
        %parallel_loop3A_146 = arith.constant 0 : i32
        %parallel_loop3A_147 = arith.index_cast %parallel_loop3A_146 : i32 to index
        %parallel_loop3A_148 = arith.index_cast %parallel_loop3A_135 : i32 to index
        %parallel_loop3A_149 = tpu.vector_load %arg12[%parallel_loop3A_147, %parallel_loop3A_148] {strides = array<i32>} : memref<8x512xf32, #tpu.memory_space<vmem>>, vector<16xf32>,
        tpu.vector_store %arg12[%parallel_loop3A_147, %parallel_loop3A_148], %parallel_loop3A_145 {strides = array<i32>} : memref<8x512xf32, #tpu.memory_space<vmem>>, vector<16xf32>,
        %parallel_loop3A_150 = arith.constant 1 : i32
        %parallel_loop3A_151 = arith.index_cast %parallel_loop3A_150 : i32 to index
        %parallel_loop3A_152 = arith.index_cast %parallel_loop3A_135 : i32 to index
        %parallel_loop3A_153 = tpu.vector_load %arg8[%parallel_loop3A_151, %parallel_loop3A_152] {strides = array<i32>} : memref<8x512xi32, #tpu.memory_space<vmem>>, vector<16xi32>,
        %parallel_loop3A_154 = tpu.vector_load_idx %arg6[%parallel_loop3A_153] : memref<128xf32, #tpu.memory_space<vmem>>[vector<16xi32>], vector<16xf32>,
        %parallel_loop3A_155 = arith.constant 1 : i32
        %parallel_loop3A_156 = arith.index_cast %parallel_loop3A_155 : i32 to index
        %parallel_loop3A_157 = arith.index_cast %parallel_loop3A_135 : i32 to index
        %parallel_loop3A_158 = tpu.vector_load %arg10[%parallel_loop3A_156, %parallel_loop3A_157] {strides = array<i32>} : memref<8x512xf32, #tpu.memory_space<vmem>>, vector<16xf32>,
        %parallel_loop3A_159 = arith.addf %parallel_loop3A_158, %parallel_loop3A_154 : vector<16xf32>
        %parallel_loop3A_160 = arith.constant 1 : i32
        %parallel_loop3A_161 = arith.index_cast %parallel_loop3A_160 : i32 to index
        %parallel_loop3A_162 = arith.index_cast %parallel_loop3A_135 : i32 to index
        %parallel_loop3A_163 = tpu.vector_load %arg12[%parallel_loop3A_161, %parallel_loop3A_162] {strides = array<i32>} : memref<8x512xf32, #tpu.memory_space<vmem>>, vector<16xf32>,
        tpu.vector_store %arg12[%parallel_loop3A_161, %parallel_loop3A_162], %parallel_loop3A_159 {strides = array<i32>} : memref<8x512xf32, #tpu.memory_space<vmem>>, vector<16xf32>,
        %parallel_loop3A_164 = arith.constant 2 : i32
        %parallel_loop3A_165 = arith.index_cast %parallel_loop3A_164 : i32 to index
        %parallel_loop3A_166 = arith.index_cast %parallel_loop3A_135 : i32 to index
        %parallel_loop3A_167 = tpu.vector_load %arg8[%parallel_loop3A_165, %parallel_loop3A_166] {strides = array<i32>} : memref<8x512xi32, #tpu.memory_space<vmem>>, vector<16xi32>,
        %parallel_loop3A_168 = tpu.vector_load_idx %arg6[%parallel_loop3A_167] : memref<128xf32, #tpu.memory_space<vmem>>[vector<16xi32>], vector<16xf32>,
        %parallel_loop3A_169 = arith.constant 2 : i32
        %parallel_loop3A_170 = arith.index_cast %parallel_loop3A_169 : i32 to index
        %parallel_loop3A_171 = arith.index_cast %parallel_loop3A_135 : i32 to index
        %parallel_loop3A_172 = tpu.vector_load %arg10[%parallel_loop3A_170, %parallel_loop3A_171] {strides = array<i32>} : memref<8x512xf32, #tpu.memory_space<vmem>>, vector<16xf32>,
        %parallel_loop3A_173 = arith.addf %parallel_loop3A_172, %parallel_loop3A_168 : vector<16xf32>
        %parallel_loop3A_174 = arith.constant 2 : i32
        %parallel_loop3A_175 = arith.index_cast %parallel_loop3A_174 : i32 to index
        %parallel_loop3A_176 = arith.index_cast %parallel_loop3A_135 : i32 to index
        %parallel_loop3A_177 = tpu.vector_load %arg12[%parallel_loop3A_175, %parallel_loop3A_176] {strides = array<i32>} : memref<8x512xf32, #tpu.memory_space<vmem>>, vector<16xf32>,
        tpu.vector_store %arg12[%parallel_loop3A_175, %parallel_loop3A_176], %parallel_loop3A_173 {strides = array<i32>} : memref<8x512xf32, #tpu.memory_space<vmem>>, vector<16xf32>,
        %parallel_loop3A_178 = arith.constant 3 : i32
        %parallel_loop3A_179 = arith.index_cast %parallel_loop3A_178 : i32 to index
        %parallel_loop3A_180 = arith.index_cast %parallel_loop3A_135 : i32 to index
        %parallel_loop3A_181 = tpu.vector_load %arg8[%parallel_loop3A_179, %parallel_loop3A_180] {strides = array<i32>} : memref<8x512xi32, #tpu.memory_space<vmem>>, vector<16xi32>,
        %parallel_loop3A_182 = tpu.vector_load_idx %arg6[%parallel_loop3A_181] : memref<128xf32, #tpu.memory_space<vmem>>[vector<16xi32>], vector<16xf32>,
        %parallel_loop3A_183 = arith.constant 3 : i32
        %parallel_loop3A_184 = arith.index_cast %parallel_loop3A_183 : i32 to index
        %parallel_loop3A_185 = arith.index_cast %parallel_loop3A_135 : i32 to index
        %parallel_loop3A_186 = tpu.vector_load %arg10[%parallel_loop3A_184, %parallel_loop3A_185] {strides = array<i32>} : memref<8x512xf32, #tpu.memory_space<vmem>>, vector<16xf32>,
        %parallel_loop3A_187 = arith.addf %parallel_loop3A_186, %parallel_loop3A_182 : vector<16xf32>
        %parallel_loop3A_188 = arith.constant 3 : i32
        %parallel_loop3A_189 = arith.index_cast %parallel_loop3A_188 : i32 to index
        %parallel_loop3A_190 = arith.index_cast %parallel_loop3A_135 : i32 to index
        %parallel_loop3A_191 = tpu.vector_load %arg12[%parallel_loop3A_189, %parallel_loop3A_190] {strides = array<i32>} : memref<8x512xf32, #tpu.memory_space<vmem>>, vector<16xf32>,
        tpu.vector_store %arg12[%parallel_loop3A_189, %parallel_loop3A_190], %parallel_loop3A_187 {strides = array<i32>} : memref<8x512xf32, #tpu.memory_space<vmem>>, vector<16xf32>,
        %parallel_loop3A_192 = arith.constant 4 : i32
        %parallel_loop3A_193 = arith.index_cast %parallel_loop3A_192 : i32 to index
        %parallel_loop3A_194 = arith.index_cast %parallel_loop3A_135 : i32 to index
        %parallel_loop3A_195 = tpu.vector_load %arg8[%parallel_loop3A_193, %parallel_loop3A_194] {strides = array<i32>} : memref<8x512xi32, #tpu.memory_space<vmem>>, vector<16xi32>,
        %parallel_loop3A_196 = tpu.vector_load_idx %arg6[%parallel_loop3A_195] : memref<128xf32, #tpu.memory_space<vmem>>[vector<16xi32>], vector<16xf32>,
        %parallel_loop3A_197 = arith.constant 4 : i32
        %parallel_loop3A_198 = arith.index_cast %parallel_loop3A_197 : i32 to index
        %parallel_loop3A_199 = arith.index_cast %parallel_loop3A_135 : i32 to index
        %parallel_loop3A_200 = tpu.vector_load %arg10[%parallel_loop3A_198, %parallel_loop3A_199] {strides = array<i32>} : memref<8x512xf32, #tpu.memory_space<vmem>>, vector<16xf32>,
        %parallel_loop3A_201 = arith.addf %parallel_loop3A_200, %parallel_loop3A_196 : vector<16xf32>
        %parallel_loop3A_202 = arith.constant 4 : i32
        %parallel_loop3A_203 = arith.index_cast %parallel_loop3A_202 : i32 to index
        %parallel_loop3A_204 = arith.index_cast %parallel_loop3A_135 : i32 to index
        %parallel_loop3A_205 = tpu.vector_load %arg12[%parallel_loop3A_203, %parallel_loop3A_204] {strides = array<i32>} : memref<8x512xf32, #tpu.memory_space<vmem>>, vector<16xf32>,
        tpu.vector_store %arg12[%parallel_loop3A_203, %parallel_loop3A_204], %parallel_loop3A_201 {strides = array<i32>} : memref<8x512xf32, #tpu.memory_space<vmem>>, vector<16xf32>,
        %parallel_loop3A_206 = arith.constant 5 : i32
        %parallel_loop3A_207 = arith.index_cast %parallel_loop3A_206 : i32 to index
        %parallel_loop3A_208 = arith.index_cast %parallel_loop3A_135 : i32 to index
        %parallel_loop3A_209 = tpu.vector_load %arg8[%parallel_loop3A_207, %parallel_loop3A_208] {strides = array<i32>} : memref<8x512xi32, #tpu.memory_space<vmem>>, vector<16xi32>,
        %parallel_loop3A_210 = tpu.vector_load_idx %arg6[%parallel_loop3A_209] : memref<128xf32, #tpu.memory_space<vmem>>[vector<16xi32>], vector<16xf32>,
        %parallel_loop3A_211 = arith.constant 5 : i32
        %parallel_loop3A_212 = arith.index_cast %parallel_loop3A_211 : i32 to index
        %parallel_loop3A_213 = arith.index_cast %parallel_loop3A_135 : i32 to index
        %parallel_loop3A_214 = tpu.vector_load %arg10[%parallel_loop3A_212, %parallel_loop3A_213] {strides = array<i32>} : memref<8x512xf32, #tpu.memory_space<vmem>>, vector<16xf32>,
        %parallel_loop3A_215 = arith.addf %parallel_loop3A_214, %parallel_loop3A_210 : vector<16xf32>
        %parallel_loop3A_216 = arith.constant 5 : i32
        %parallel_loop3A_217 = arith.index_cast %parallel_loop3A_216 : i32 to index
        %parallel_loop3A_218 = arith.index_cast %parallel_loop3A_135 : i32 to index
        %parallel_loop3A_219 = tpu.vector_load %arg12[%parallel_loop3A_217, %parallel_loop3A_218] {strides = array<i32>} : memref<8x512xf32, #tpu.memory_space<vmem>>, vector<16xf32>,
        tpu.vector_store %arg12[%parallel_loop3A_217, %parallel_loop3A_218], %parallel_loop3A_215 {strides = array<i32>} : memref<8x512xf32, #tpu.memory_space<vmem>>, vector<16xf32>,
        %parallel_loop3A_220 = arith.constant 6 : i32
        %parallel_loop3A_221 = arith.index_cast %parallel_loop3A_220 : i32 to index
        %parallel_loop3A_222 = arith.index_cast %parallel_loop3A_135 : i32 to index
        %parallel_loop3A_223 = tpu.vector_load %arg8[%parallel_loop3A_221, %parallel_loop3A_222] {strides = array<i32>} : memref<8x512xi32, #tpu.memory_space<vmem>>, vector<16xi32>,
        %parallel_loop3A_224 = tpu.vector_load_idx %arg6[%parallel_loop3A_223] : memref<128xf32, #tpu.memory_space<vmem>>[vector<16xi32>], vector<16xf32>,
        %parallel_loop3A_225 = arith.constant 6 : i32
        %parallel_loop3A_226 = arith.index_cast %parallel_loop3A_225 : i32 to index
        %parallel_loop3A_227 = arith.index_cast %parallel_loop3A_135 : i32 to index
        %parallel_loop3A_228 = tpu.vector_load %arg10[%parallel_loop3A_226, %parallel_loop3A_227] {strides = array<i32>} : memref<8x512xf32, #tpu.memory_space<vmem>>, vector<16xf32>,
        %parallel_loop3A_229 = arith.addf %parallel_loop3A_228, %parallel_loop3A_224 : vector<16xf32>
        %parallel_loop3A_230 = arith.constant 6 : i32
        %parallel_loop3A_231 = arith.index_cast %parallel_loop3A_230 : i32 to index
        %parallel_loop3A_232 = arith.index_cast %parallel_loop3A_135 : i32 to index
        %parallel_loop3A_233 = tpu.vector_load %arg12[%parallel_loop3A_231, %parallel_loop3A_232] {strides = array<i32>} : memref<8x512xf32, #tpu.memory_space<vmem>>, vector<16xf32>,
        tpu.vector_store %arg12[%parallel_loop3A_231, %parallel_loop3A_232], %parallel_loop3A_229 {strides = array<i32>} : memref<8x512xf32, #tpu.memory_space<vmem>>, vector<16xf32>,
        %parallel_loop3A_234 = arith.constant 7 : i32
        %parallel_loop3A_235 = arith.index_cast %parallel_loop3A_234 : i32 to index
        %parallel_loop3A_236 = arith.index_cast %parallel_loop3A_135 : i32 to index
        %parallel_loop3A_237 = tpu.vector_load %arg8[%parallel_loop3A_235, %parallel_loop3A_236] {strides = array<i32>} : memref<8x512xi32, #tpu.memory_space<vmem>>, vector<16xi32>,
        %parallel_loop3A_238 = tpu.vector_load_idx %arg6[%parallel_loop3A_237] : memref<128xf32, #tpu.memory_space<vmem>>[vector<16xi32>], vector<16xf32>,
        %parallel_loop3A_239 = arith.constant 7 : i32
        %parallel_loop3A_240 = arith.index_cast %parallel_loop3A_239 : i32 to index
        %parallel_loop3A_241 = arith.index_cast %parallel_loop3A_135 : i32 to index
        %parallel_loop3A_242 = tpu.vector_load %arg10[%parallel_loop3A_240, %parallel_loop3A_241] {strides = array<i32>} : memref<8x512xf32, #tpu.memory_space<vmem>>, vector<16xf32>,
        %parallel_loop3A_243 = arith.addf %parallel_loop3A_242, %parallel_loop3A_238 : vector<16xf32>
        %parallel_loop3A_244 = arith.constant 7 : i32
        %parallel_loop3A_245 = arith.index_cast %parallel_loop3A_244 : i32 to index
        %parallel_loop3A_246 = arith.index_cast %parallel_loop3A_135 : i32 to index
        %parallel_loop3A_247 = tpu.vector_load %arg12[%parallel_loop3A_245, %parallel_loop3A_246] {strides = array<i32>} : memref<8x512xf32, #tpu.memory_space<vmem>>, vector<16xf32>,
        tpu.vector_store %arg12[%parallel_loop3A_245, %parallel_loop3A_246], %parallel_loop3A_243 {strides = array<i32>} : memref<8x512xf32, #tpu.memory_space<vmem>>, vector<16xf32>,
      } {sc.loop_unroll_factor = 4 : i64, sc.parallel_access}
      %mul3A_123 = arith.constant 8 : i32
      %mul3A_124 = arith.muli %add3A_101, %mul3A_123 : i32
      %add3A_125 = arith.constant 0 : i32
      %add3A_126 = arith.addi %mul3A_124, %add3A_125 : i32
      %dma_start3A_127 = arith.constant 0 : i32
      %dma_start3A_128 = arith.constant 0 : i32
      %dma_start3A_129 = tpu.memref_slice %arg12[%dma_start3A_127, %dma_start3A_128] : memref<8x512xf32, #tpu.memory_space<vmem>> -> memref<8x512xf32, #tpu.memory_space<vmem>>
      %dma_start3A_130 = tpu.memref_slice %arg5[%add3A_126, %mul3A_2] : memref<200x16384xf32, #tpu.memory_space<hbm>> -> memref<8x512xf32, #tpu.memory_space<hbm>>
      %dma_start3A_131 = tpu.memref_slice %arg5[%add3A_126, %mul3A_2] : memref<200x16384xf32, #tpu.memory_space<hbm>> -> memref<8x512xf32, #tpu.memory_space<hbm>>
      %dma_start3A_132 = arith.constant 0 : i32
      %dma_start3A_133 = arith.constant 0 : i32
      %dma_start3A_134 = tpu.memref_slice %arg12[%dma_start3A_132, %dma_start3A_133] : memref<8x512xf32, #tpu.memory_space<vmem>> -> memref<8x512xf32, #tpu.memory_space<vmem>>
      tpu.enqueue_dma source(%dma_start3A_134 : memref<8x512xf32, #tpu.memory_space<vmem>>) target(%dma_start3A_131 : memref<8x512xf32, #tpu.memory_space<hbm>>) target_semaphore(%arg18 : memref<!tpu.dma_semaphore, #tpu.memory_space<semaphore_mem>>)
    }
    %scan3A_14 = arith.constant 12 : i32
    %dma_wait3A = arith.constant 192 : i32
    %dma_wait3A_15 = tpu.memref_slice %arg2[%dma_wait3A, %mul3A_2] : memref<200x16384xi32, #tpu.memory_space<hbm>> -> memref<8x512xi32, #tpu.memory_space<hbm>>
    %dma_wait3A_16 = arith.constant 192 : i32
    %dma_wait3A_17 = tpu.memref_slice %arg2[%dma_wait3A_16, %mul3A_2] : memref<200x16384xi32, #tpu.memory_space<hbm>> -> memref<8x512xi32, #tpu.memory_space<hbm>>
    tpu.wait_dma2 semaphore(%arg13 : memref<!tpu.dma_semaphore, #tpu.memory_space<semaphore_mem>>) src(%dma_wait3A_17 : memref<8x512xi32, #tpu.memory_space<hbm>>) dst(%arg7 : memref<8x512xi32, #tpu.memory_space<vmem>>)
    %dma_wait3A_18 = arith.constant 192 : i32
    %dma_wait3A_19 = tpu.memref_slice %arg3[%dma_wait3A_18, %mul3A_2] : memref<200x16384xf32, #tpu.memory_space<hbm>> -> memref<8x512xf32, #tpu.memory_space<hbm>>
    %dma_wait3A_20 = arith.constant 192 : i32
    %dma_wait3A_21 = tpu.memref_slice %arg3[%dma_wait3A_20, %mul3A_2] : memref<200x16384xf32, #tpu.memory_space<hbm>> -> memref<8x512xf32, #tpu.memory_space<hbm>>
    tpu.wait_dma2 semaphore(%arg15 : memref<!tpu.dma_semaphore, #tpu.memory_space<semaphore_mem>>) src(%dma_wait3A_21 : memref<8x512xf32, #tpu.memory_space<hbm>>) dst(%arg9 : memref<8x512xf32, #tpu.memory_space<vmem>>)
    %dma_wait3A_22 = arith.constant 0 : i32
    %dma_wait3A_23 = arith.constant 0 : i32
    %dma_wait3A_24 = tpu.memref_slice %arg11[%dma_wait3A_22, %dma_wait3A_23] : memref<8x512xf32, #tpu.memory_space<vmem>> -> memref<8x512xf32, #tpu.memory_space<vmem>>
    %dma_wait3A_25 = arith.constant 176 : i32
    %dma_wait3A_26 = tpu.memref_slice %arg5[%dma_wait3A_25, %mul3A_2] : memref<200x16384xf32, #tpu.memory_space<hbm>> -> memref<8x512xf32, #tpu.memory_space<hbm>>
    %dma_wait3A_27 = arith.constant 176 : i32
    %dma_wait3A_28 = tpu.memref_slice %arg5[%dma_wait3A_27, %mul3A_2] : memref<200x16384xf32, #tpu.memory_space<hbm>> -> memref<8x512xf32, #tpu.memory_space<hbm>>
    %dma_wait3A_29 = arith.constant 0 : i32
    %dma_wait3A_30 = arith.constant 0 : i32
    %dma_wait3A_31 = tpu.memref_slice %arg11[%dma_wait3A_29, %dma_wait3A_30] : memref<8x512xf32, #tpu.memory_space<vmem>> -> memref<8x512xf32, #tpu.memory_space<vmem>>
    tpu.wait_dma2 semaphore(%arg17 : memref<!tpu.dma_semaphore, #tpu.memory_space<semaphore_mem>>) src(%dma_wait3A_31 : memref<8x512xf32, #tpu.memory_space<vmem>>) dst(%dma_wait3A_28 : memref<8x512xf32, #tpu.memory_space<hbm>>)
    %parallel_loop3A = arith.constant 0 : i32
    %parallel_loop3A_32 = arith.constant 512 : i32
    %parallel_loop3A_33 = arith.constant 16 : i32
    scf.for %parallel_loop3A_64 = %parallel_loop3A to %parallel_loop3A_32 step %parallel_loop3A_33  : i32 {
      %parallel_loop3A_65 = arith.constant 0 : i32
      %parallel_loop3A_66 = arith.index_cast %parallel_loop3A_65 : i32 to index
      %parallel_loop3A_67 = arith.index_cast %parallel_loop3A_64 : i32 to index
      %parallel_loop3A_68 = tpu.vector_load %arg7[%parallel_loop3A_66, %parallel_loop3A_67] {strides = array<i32>} : memref<8x512xi32, #tpu.memory_space<vmem>>, vector<16xi32>,
      %parallel_loop3A_69 = tpu.vector_load_idx %arg6[%parallel_loop3A_68] : memref<128xf32, #tpu.memory_space<vmem>>[vector<16xi32>], vector<16xf32>,
      %parallel_loop3A_70 = arith.constant 0 : i32
      %parallel_loop3A_71 = arith.index_cast %parallel_loop3A_70 : i32 to index
      %parallel_loop3A_72 = arith.index_cast %parallel_loop3A_64 : i32 to index
      %parallel_loop3A_73 = tpu.vector_load %arg9[%parallel_loop3A_71, %parallel_loop3A_72] {strides = array<i32>} : memref<8x512xf32, #tpu.memory_space<vmem>>, vector<16xf32>,
      %parallel_loop3A_74 = arith.addf %parallel_loop3A_73, %parallel_loop3A_69 : vector<16xf32>
      %parallel_loop3A_75 = arith.constant 0 : i32
      %parallel_loop3A_76 = arith.index_cast %parallel_loop3A_75 : i32 to index
      %parallel_loop3A_77 = arith.index_cast %parallel_loop3A_64 : i32 to index
      %parallel_loop3A_78 = tpu.vector_load %arg11[%parallel_loop3A_76, %parallel_loop3A_77] {strides = array<i32>} : memref<8x512xf32, #tpu.memory_space<vmem>>, vector<16xf32>,
      tpu.vector_store %arg11[%parallel_loop3A_76, %parallel_loop3A_77], %parallel_loop3A_74 {strides = array<i32>} : memref<8x512xf32, #tpu.memory_space<vmem>>, vector<16xf32>,
      %parallel_loop3A_79 = arith.constant 1 : i32
      %parallel_loop3A_80 = arith.index_cast %parallel_loop3A_79 : i32 to index
      %parallel_loop3A_81 = arith.index_cast %parallel_loop3A_64 : i32 to index
      %parallel_loop3A_82 = tpu.vector_load %arg7[%parallel_loop3A_80, %parallel_loop3A_81] {strides = array<i32>} : memref<8x512xi32, #tpu.memory_space<vmem>>, vector<16xi32>,
      %parallel_loop3A_83 = tpu.vector_load_idx %arg6[%parallel_loop3A_82] : memref<128xf32, #tpu.memory_space<vmem>>[vector<16xi32>], vector<16xf32>,
      %parallel_loop3A_84 = arith.constant 1 : i32
      %parallel_loop3A_85 = arith.index_cast %parallel_loop3A_84 : i32 to index
      %parallel_loop3A_86 = arith.index_cast %parallel_loop3A_64 : i32 to index
      %parallel_loop3A_87 = tpu.vector_load %arg9[%parallel_loop3A_85, %parallel_loop3A_86] {strides = array<i32>} : memref<8x512xf32, #tpu.memory_space<vmem>>, vector<16xf32>,
      %parallel_loop3A_88 = arith.addf %parallel_loop3A_87, %parallel_loop3A_83 : vector<16xf32>
      %parallel_loop3A_89 = arith.constant 1 : i32
      %parallel_loop3A_90 = arith.index_cast %parallel_loop3A_89 : i32 to index
      %parallel_loop3A_91 = arith.index_cast %parallel_loop3A_64 : i32 to index
      %parallel_loop3A_92 = tpu.vector_load %arg11[%parallel_loop3A_90, %parallel_loop3A_91] {strides = array<i32>} : memref<8x512xf32, #tpu.memory_space<vmem>>, vector<16xf32>,
      tpu.vector_store %arg11[%parallel_loop3A_90, %parallel_loop3A_91], %parallel_loop3A_88 {strides = array<i32>} : memref<8x512xf32, #tpu.memory_space<vmem>>, vector<16xf32>,
      %parallel_loop3A_93 = arith.constant 2 : i32
      %parallel_loop3A_94 = arith.index_cast %parallel_loop3A_93 : i32 to index
      %parallel_loop3A_95 = arith.index_cast %parallel_loop3A_64 : i32 to index
      %parallel_loop3A_96 = tpu.vector_load %arg7[%parallel_loop3A_94, %parallel_loop3A_95] {strides = array<i32>} : memref<8x512xi32, #tpu.memory_space<vmem>>, vector<16xi32>,
      %parallel_loop3A_97 = tpu.vector_load_idx %arg6[%parallel_loop3A_96] : memref<128xf32, #tpu.memory_space<vmem>>[vector<16xi32>], vector<16xf32>,
      %parallel_loop3A_98 = arith.constant 2 : i32
      %parallel_loop3A_99 = arith.index_cast %parallel_loop3A_98 : i32 to index
      %parallel_loop3A_100 = arith.index_cast %parallel_loop3A_64 : i32 to index
      %parallel_loop3A_101 = tpu.vector_load %arg9[%parallel_loop3A_99, %parallel_loop3A_100] {strides = array<i32>} : memref<8x512xf32, #tpu.memory_space<vmem>>, vector<16xf32>,
      %parallel_loop3A_102 = arith.addf %parallel_loop3A_101, %parallel_loop3A_97 : vector<16xf32>
      %parallel_loop3A_103 = arith.constant 2 : i32
      %parallel_loop3A_104 = arith.index_cast %parallel_loop3A_103 : i32 to index
      %parallel_loop3A_105 = arith.index_cast %parallel_loop3A_64 : i32 to index
      %parallel_loop3A_106 = tpu.vector_load %arg11[%parallel_loop3A_104, %parallel_loop3A_105] {strides = array<i32>} : memref<8x512xf32, #tpu.memory_space<vmem>>, vector<16xf32>,
      tpu.vector_store %arg11[%parallel_loop3A_104, %parallel_loop3A_105], %parallel_loop3A_102 {strides = array<i32>} : memref<8x512xf32, #tpu.memory_space<vmem>>, vector<16xf32>,
      %parallel_loop3A_107 = arith.constant 3 : i32
      %parallel_loop3A_108 = arith.index_cast %parallel_loop3A_107 : i32 to index
      %parallel_loop3A_109 = arith.index_cast %parallel_loop3A_64 : i32 to index
      %parallel_loop3A_110 = tpu.vector_load %arg7[%parallel_loop3A_108, %parallel_loop3A_109] {strides = array<i32>} : memref<8x512xi32, #tpu.memory_space<vmem>>, vector<16xi32>,
      %parallel_loop3A_111 = tpu.vector_load_idx %arg6[%parallel_loop3A_110] : memref<128xf32, #tpu.memory_space<vmem>>[vector<16xi32>], vector<16xf32>,
      %parallel_loop3A_112 = arith.constant 3 : i32
      %parallel_loop3A_113 = arith.index_cast %parallel_loop3A_112 : i32 to index
      %parallel_loop3A_114 = arith.index_cast %parallel_loop3A_64 : i32 to index
      %parallel_loop3A_115 = tpu.vector_load %arg9[%parallel_loop3A_113, %parallel_loop3A_114] {strides = array<i32>} : memref<8x512xf32, #tpu.memory_space<vmem>>, vector<16xf32>,
      %parallel_loop3A_116 = arith.addf %parallel_loop3A_115, %parallel_loop3A_111 : vector<16xf32>
      %parallel_loop3A_117 = arith.constant 3 : i32
      %parallel_loop3A_118 = arith.index_cast %parallel_loop3A_117 : i32 to index
      %parallel_loop3A_119 = arith.index_cast %parallel_loop3A_64 : i32 to index
      %parallel_loop3A_120 = tpu.vector_load %arg11[%parallel_loop3A_118, %parallel_loop3A_119] {strides = array<i32>} : memref<8x512xf32, #tpu.memory_space<vmem>>, vector<16xf32>,
      tpu.vector_store %arg11[%parallel_loop3A_118, %parallel_loop3A_119], %parallel_loop3A_116 {strides = array<i32>} : memref<8x512xf32, #tpu.memory_space<vmem>>, vector<16xf32>,
      %parallel_loop3A_121 = arith.constant 4 : i32
      %parallel_loop3A_122 = arith.index_cast %parallel_loop3A_121 : i32 to index
      %parallel_loop3A_123 = arith.index_cast %parallel_loop3A_64 : i32 to index
      %parallel_loop3A_124 = tpu.vector_load %arg7[%parallel_loop3A_122, %parallel_loop3A_123] {strides = array<i32>} : memref<8x512xi32, #tpu.memory_space<vmem>>, vector<16xi32>,
      %parallel_loop3A_125 = tpu.vector_load_idx %arg6[%parallel_loop3A_124] : memref<128xf32, #tpu.memory_space<vmem>>[vector<16xi32>], vector<16xf32>,
      %parallel_loop3A_126 = arith.constant 4 : i32
      %parallel_loop3A_127 = arith.index_cast %parallel_loop3A_126 : i32 to index
      %parallel_loop3A_128 = arith.index_cast %parallel_loop3A_64 : i32 to index
      %parallel_loop3A_129 = tpu.vector_load %arg9[%parallel_loop3A_127, %parallel_loop3A_128] {strides = array<i32>} : memref<8x512xf32, #tpu.memory_space<vmem>>, vector<16xf32>,
      %parallel_loop3A_130 = arith.addf %parallel_loop3A_129, %parallel_loop3A_125 : vector<16xf32>
      %parallel_loop3A_131 = arith.constant 4 : i32
      %parallel_loop3A_132 = arith.index_cast %parallel_loop3A_131 : i32 to index
      %parallel_loop3A_133 = arith.index_cast %parallel_loop3A_64 : i32 to index
      %parallel_loop3A_134 = tpu.vector_load %arg11[%parallel_loop3A_132, %parallel_loop3A_133] {strides = array<i32>} : memref<8x512xf32, #tpu.memory_space<vmem>>, vector<16xf32>,
      tpu.vector_store %arg11[%parallel_loop3A_132, %parallel_loop3A_133], %parallel_loop3A_130 {strides = array<i32>} : memref<8x512xf32, #tpu.memory_space<vmem>>, vector<16xf32>,
      %parallel_loop3A_135 = arith.constant 5 : i32
      %parallel_loop3A_136 = arith.index_cast %parallel_loop3A_135 : i32 to index
      %parallel_loop3A_137 = arith.index_cast %parallel_loop3A_64 : i32 to index
      %parallel_loop3A_138 = tpu.vector_load %arg7[%parallel_loop3A_136, %parallel_loop3A_137] {strides = array<i32>} : memref<8x512xi32, #tpu.memory_space<vmem>>, vector<16xi32>,
      %parallel_loop3A_139 = tpu.vector_load_idx %arg6[%parallel_loop3A_138] : memref<128xf32, #tpu.memory_space<vmem>>[vector<16xi32>], vector<16xf32>,
      %parallel_loop3A_140 = arith.constant 5 : i32
      %parallel_loop3A_141 = arith.index_cast %parallel_loop3A_140 : i32 to index
      %parallel_loop3A_142 = arith.index_cast %parallel_loop3A_64 : i32 to index
      %parallel_loop3A_143 = tpu.vector_load %arg9[%parallel_loop3A_141, %parallel_loop3A_142] {strides = array<i32>} : memref<8x512xf32, #tpu.memory_space<vmem>>, vector<16xf32>,
      %parallel_loop3A_144 = arith.addf %parallel_loop3A_143, %parallel_loop3A_139 : vector<16xf32>
      %parallel_loop3A_145 = arith.constant 5 : i32
      %parallel_loop3A_146 = arith.index_cast %parallel_loop3A_145 : i32 to index
      %parallel_loop3A_147 = arith.index_cast %parallel_loop3A_64 : i32 to index
      %parallel_loop3A_148 = tpu.vector_load %arg11[%parallel_loop3A_146, %parallel_loop3A_147] {strides = array<i32>} : memref<8x512xf32, #tpu.memory_space<vmem>>, vector<16xf32>,
      tpu.vector_store %arg11[%parallel_loop3A_146, %parallel_loop3A_147], %parallel_loop3A_144 {strides = array<i32>} : memref<8x512xf32, #tpu.memory_space<vmem>>, vector<16xf32>,
      %parallel_loop3A_149 = arith.constant 6 : i32
      %parallel_loop3A_150 = arith.index_cast %parallel_loop3A_149 : i32 to index
      %parallel_loop3A_151 = arith.index_cast %parallel_loop3A_64 : i32 to index
      %parallel_loop3A_152 = tpu.vector_load %arg7[%parallel_loop3A_150, %parallel_loop3A_151] {strides = array<i32>} : memref<8x512xi32, #tpu.memory_space<vmem>>, vector<16xi32>,
      %parallel_loop3A_153 = tpu.vector_load_idx %arg6[%parallel_loop3A_152] : memref<128xf32, #tpu.memory_space<vmem>>[vector<16xi32>], vector<16xf32>,
      %parallel_loop3A_154 = arith.constant 6 : i32
      %parallel_loop3A_155 = arith.index_cast %parallel_loop3A_154 : i32 to index
      %parallel_loop3A_156 = arith.index_cast %parallel_loop3A_64 : i32 to index
      %parallel_loop3A_157 = tpu.vector_load %arg9[%parallel_loop3A_155, %parallel_loop3A_156] {strides = array<i32>} : memref<8x512xf32, #tpu.memory_space<vmem>>, vector<16xf32>,
      %parallel_loop3A_158 = arith.addf %parallel_loop3A_157, %parallel_loop3A_153 : vector<16xf32>
      %parallel_loop3A_159 = arith.constant 6 : i32
      %parallel_loop3A_160 = arith.index_cast %parallel_loop3A_159 : i32 to index
      %parallel_loop3A_161 = arith.index_cast %parallel_loop3A_64 : i32 to index
      %parallel_loop3A_162 = tpu.vector_load %arg11[%parallel_loop3A_160, %parallel_loop3A_161] {strides = array<i32>} : memref<8x512xf32, #tpu.memory_space<vmem>>, vector<16xf32>,
      tpu.vector_store %arg11[%parallel_loop3A_160, %parallel_loop3A_161], %parallel_loop3A_158 {strides = array<i32>} : memref<8x512xf32, #tpu.memory_space<vmem>>, vector<16xf32>,
      %parallel_loop3A_163 = arith.constant 7 : i32
      %parallel_loop3A_164 = arith.index_cast %parallel_loop3A_163 : i32 to index
      %parallel_loop3A_165 = arith.index_cast %parallel_loop3A_64 : i32 to index
      %parallel_loop3A_166 = tpu.vector_load %arg7[%parallel_loop3A_164, %parallel_loop3A_165] {strides = array<i32>} : memref<8x512xi32, #tpu.memory_space<vmem>>, vector<16xi32>,
      %parallel_loop3A_167 = tpu.vector_load_idx %arg6[%parallel_loop3A_166] : memref<128xf32, #tpu.memory_space<vmem>>[vector<16xi32>], vector<16xf32>,
      %parallel_loop3A_168 = arith.constant 7 : i32
      %parallel_loop3A_169 = arith.index_cast %parallel_loop3A_168 : i32 to index
      %parallel_loop3A_170 = arith.index_cast %parallel_loop3A_64 : i32 to index
      %parallel_loop3A_171 = tpu.vector_load %arg9[%parallel_loop3A_169, %parallel_loop3A_170] {strides = array<i32>} : memref<8x512xf32, #tpu.memory_space<vmem>>, vector<16xf32>,
      %parallel_loop3A_172 = arith.addf %parallel_loop3A_171, %parallel_loop3A_167 : vector<16xf32>
      %parallel_loop3A_173 = arith.constant 7 : i32
      %parallel_loop3A_174 = arith.index_cast %parallel_loop3A_173 : i32 to index
      %parallel_loop3A_175 = arith.index_cast %parallel_loop3A_64 : i32 to index
      %parallel_loop3A_176 = tpu.vector_load %arg11[%parallel_loop3A_174, %parallel_loop3A_175] {strides = array<i32>} : memref<8x512xf32, #tpu.memory_space<vmem>>, vector<16xf32>,
      tpu.vector_store %arg11[%parallel_loop3A_174, %parallel_loop3A_175], %parallel_loop3A_172 {strides = array<i32>} : memref<8x512xf32, #tpu.memory_space<vmem>>, vector<16xf32>,
    } {sc.loop_unroll_factor = 4 : i64, sc.parallel_access}
    %dma_start3A_34 = arith.constant 0 : i32
    %dma_start3A_35 = arith.constant 0 : i32
    %dma_start3A_36 = tpu.memref_slice %arg11[%dma_start3A_34, %dma_start3A_35] : memref<8x512xf32, #tpu.memory_space<vmem>> -> memref<8x512xf32, #tpu.memory_space<vmem>>
    %dma_start3A_37 = arith.constant 192 : i32
    %dma_start3A_38 = tpu.memref_slice %arg5[%dma_start3A_37, %mul3A_2] : memref<200x16384xf32, #tpu.memory_space<hbm>> -> memref<8x512xf32, #tpu.memory_space<hbm>>
    %dma_start3A_39 = arith.constant 192 : i32
    %dma_start3A_40 = tpu.memref_slice %arg5[%dma_start3A_39, %mul3A_2] : memref<200x16384xf32, #tpu.memory_space<hbm>> -> memref<8x512xf32, #tpu.memory_space<hbm>>
    %dma_start3A_41 = arith.constant 0 : i32
    %dma_start3A_42 = arith.constant 0 : i32
    %dma_start3A_43 = tpu.memref_slice %arg11[%dma_start3A_41, %dma_start3A_42] : memref<8x512xf32, #tpu.memory_space<vmem>> -> memref<8x512xf32, #tpu.memory_space<vmem>>
    tpu.enqueue_dma source(%dma_start3A_43 : memref<8x512xf32, #tpu.memory_space<vmem>>) target(%dma_start3A_40 : memref<8x512xf32, #tpu.memory_space<hbm>>) target_semaphore(%arg17 : memref<!tpu.dma_semaphore, #tpu.memory_space<semaphore_mem>>)
    %dma_wait3A_44 = arith.constant 0 : i32
    %dma_wait3A_45 = arith.constant 0 : i32
    %dma_wait3A_46 = tpu.memref_slice %arg11[%dma_wait3A_44, %dma_wait3A_45] : memref<8x512xf32, #tpu.memory_space<vmem>> -> memref<8x512xf32, #tpu.memory_space<vmem>>
    %dma_wait3A_47 = arith.constant 192 : i32
    %dma_wait3A_48 = tpu.memref_slice %arg5[%dma_wait3A_47, %mul3A_2] : memref<200x16384xf32, #tpu.memory_space<hbm>> -> memref<8x512xf32, #tpu.memory_space<hbm>>
    %dma_wait3A_49 = arith.constant 192 : i32
    %dma_wait3A_50 = tpu.memref_slice %arg5[%dma_wait3A_49, %mul3A_2] : memref<200x16384xf32, #tpu.memory_space<hbm>> -> memref<8x512xf32, #tpu.memory_space<hbm>>
    %dma_wait3A_51 = arith.constant 0 : i32
    %dma_wait3A_52 = arith.constant 0 : i32
    %dma_wait3A_53 = tpu.memref_slice %arg11[%dma_wait3A_51, %dma_wait3A_52] : memref<8x512xf32, #tpu.memory_space<vmem>> -> memref<8x512xf32, #tpu.memory_space<vmem>>
    tpu.wait_dma2 semaphore(%arg17 : memref<!tpu.dma_semaphore, #tpu.memory_space<semaphore_mem>>) src(%dma_wait3A_53 : memref<8x512xf32, #tpu.memory_space<vmem>>) dst(%dma_wait3A_50 : memref<8x512xf32, #tpu.memory_space<hbm>>)
    %dma_wait3A_54 = arith.constant 0 : i32
    %dma_wait3A_55 = arith.constant 0 : i32
    %dma_wait3A_56 = tpu.memref_slice %arg12[%dma_wait3A_54, %dma_wait3A_55] : memref<8x512xf32, #tpu.memory_space<vmem>> -> memref<8x512xf32, #tpu.memory_space<vmem>>
    %dma_wait3A_57 = arith.constant 184 : i32
    %dma_wait3A_58 = tpu.memref_slice %arg5[%dma_wait3A_57, %mul3A_2] : memref<200x16384xf32, #tpu.memory_space<hbm>> -> memref<8x512xf32, #tpu.memory_space<hbm>>
    %dma_wait3A_59 = arith.constant 184 : i32
    %dma_wait3A_60 = tpu.memref_slice %arg5[%dma_wait3A_59, %mul3A_2] : memref<200x16384xf32, #tpu.memory_space<hbm>> -> memref<8x512xf32, #tpu.memory_space<hbm>>
    %dma_wait3A_61 = arith.constant 0 : i32
    %dma_wait3A_62 = arith.constant 0 : i32
    %dma_wait3A_63 = tpu.memref_slice %arg12[%dma_wait3A_61, %dma_wait3A_62] : memref<8x512xf32, #tpu.memory_space<vmem>> -> memref<8x512xf32, #tpu.memory_space<vmem>>
    tpu.wait_dma2 semaphore(%arg18 : memref<!tpu.dma_semaphore, #tpu.memory_space<semaphore_mem>>) src(%dma_wait3A_63 : memref<8x512xf32, #tpu.memory_space<vmem>>) dst(%dma_wait3A_60 : memref<8x512xf32, #tpu.memory_space<hbm>>)
    return
  }
}

</mosaic_0001>

<sc_bundles>
// kernel: kernel.3.cloned.1.call-start
scs
__scs_entry_jumppad:
0x0: {  	(pc) =	sbr.rel $0x88, $3  }
0x1: {  	(tag) =	ssettag $0x0;
	lr =	simm.s32 $0x1  }
0x2: {  	[smem:$0x3F9E] =	sst lr;
	_ =	strace $0xD0000000  }
0x3: {  	_ = 	snop  }
0x4: {  	_ = 	snop  }
0x5: {  	_ = 	snop  }
0x6: {  	_ = 	snop  }
0x7: {  	_ = 	snop  }
__scs_overlays_trampoline_lowered:
0x8: {  	[smem:$0x3FAD] =	sst s0  }
0x9: {  	[smem:$0x3FAE] =	sst s1  }
0xa: {  	[smem:$0x3FAF] =	sst s2  }
0xb: {  	[smem:$0x3FB0] =	sst s3  }
0xc: {  	[smem:$0x3FB1] =	sst s4  }
0xd: {  	[smem:$0x3FB2] =	sst s5  }
0xe: {  	[smem:$0x3FB3] =	sst s6  }
0xf: {  	[smem:$0x3FB4] =	sst s7  }
0x10: {  	[smem:$0x3FB5] =	sst s8  }
0x11: {  	[smem:$0x3FB6] =	sst s9;
	s0 =	simm.s32 @!p0 $0x0  }
0x12: {  	s1 =	sld [smem:$0x3F9C];
	s0 =	simm.s32 @p0 $0x1  }
0x13: {  	[smem:$0x3FB7] =	sst s0;
	s0 =	simm.s32 @!p1 $0x0  }
0x14: {  	s2 =	sld [smem:$0x3F9B];
	s0 =	simm.s32 @p1 $0x1  }
0x15: {  	[smem:$0x3FB8] =	sst s0;
	s0 =	simm.s32 @!p2 $0x0  }
0x16: {  	s3 =	sld [smem:$0x3FDB];
	s0 =	simm.s32 @p2 $0x1  }
0x17: {  	s4 =	simm.s32 $0x1BF5;
	[smem:$0x3FBA] =	sst s0  }
0x18: {  	s0 =	sld [smem:$0x3F9D];
	_ =	swait.ge [sflag:s4], $0x0  }
0x19: {  	s7 =	sld [smem:$0x3F9E]  }
0x1a: {  	s8 =	sadd.s32 $0xFFFFE003, lr  }
0x1b: {  	s9 =	sadd.s32 $0xFFFFFEF7, lr;
	s5 =	simm.s32 $0xFFFFFFFF;
	p2 =	slt.u32 s8, $0xFFFFF086  }
0x1c: {  	p1 =	slt.u32 s9, $0xF7A;
	s5 =	simm.s32 @!p2 $0x0  }
0x1d: {  	s5 =	simm.s32 @p1 $0x1;
	p0 =	seq.s32 s7, s2  }
0x1e: {  	s7 =	smul.u32 @!p0 $0xF7A, s2;
	p2 =	seq.s32 @!p0 s5, $0x0  }
0x1f: {  	s9 =	smul.u32 $0xF7A, s1;
	s8 =	simm.s32 @!p0 $0x1BF5;
	p2 =	por !p2, p0  }
0x20: {  	[sflag:s8] =	ssyncset.s32 @!p0 $0xFFFFF086;
	s6 =	sadd.s32 @!p0 s3, s7;
	s7 =	simm.s32 @!p0 $0x108  }
0x21: {  	s3 =	sadd.s32 s3, s9;
	s6 =	sadd.s32 @!p0 $0x88, s6;
	s7 =	simm.s32 @p2 $0x1082  }
0x22: {  	[simem:s7], [sflag:s8] =	dma.local @!p0 [hbm:s6], $0xF7A  }
0x23: {  	s9 =	sor.u32 $0xD0000000, s2;
	s6 =	simm.s32 $0x108;
	_ =	swait.ge @!p0 [sflag:s8], $0x0  }
0x24: {  	s3 =	sadd.s32 $0x88, s3;
	s6 =	simm.s32 @!p1 $0x1082;
	[sflag:s4] =	ssyncset.s32 $0xFFFFF086  }
0x25: {  	[simem:s6], [sflag:s4] =	dma.local [hbm:s3], $0xF7A  }
0x26: {  	[smem:$0x3F9E] =	sst s1;
	(tag) =	ssettag s2;
	_ =	strace s9  }
0x27: {  	s1 =	sld [smem:$0x3FAE]  }
0x28: {  	s2 =	sld [smem:$0x3FAF]  }
0x29: {  	s4 =	sld [smem:$0x3FB1]  }
0x2a: {  	p0 =	seq.s32 s5, $0x0;
	s5 =	sld [smem:$0x3FB2]  }
0x2b: {  	s6 =	sld [smem:$0x3FB3]  }
0x2c: {  	s7 =	sld [smem:$0x3FB4]  }
0x2d: {  	s3 =	simm.s32 $0x108;
	s8 =	sld [smem:$0x3FB5]  }
0x2e: {  	s3 =	simm.s32 @!p0 $0x1082;
	s9 =	sld [smem:$0x3FB6]  }
0x2f: {  	lr =	sadd.s32 s0, s3;
	s0 =	sld [smem:$0x3FAD]  }
0x30: {  	s3 =	sld [smem:$0x3FB0]  }
0x31: {  	[smem:$0x3FB9] =	sst s10  }
0x32: {  	s10 =	sld [smem:$0x3FB7];
	_ =	sdelay $0x3  }
0x33: {  	p0 =	seq.s32 s10, $0x1;
	s10 =	sld [smem:$0x3FB9];
	_ =	sdelay $0x3  }
0x34: {  	[smem:$0x3FB9] =	sst s10  }
0x35: {  	s10 =	sld [smem:$0x3FB8];
	_ =	sdelay $0x3  }
0x36: {  	p1 =	seq.s32 s10, $0x1;
	s10 =	sld [smem:$0x3FB9];
	_ =	sdelay $0x3  }
0x37: {  	[smem:$0x3FB9] =	sst s10  }
0x38: {  	s10 =	sld [smem:$0x3FBA]  }
0x39: {  	_ = 	snop;
	(pc) =	sbr.ind lr, $3  }
0x3a: {  	_ = 	snop  }
0x3b: {  	_ = 	snop  }
0x3c: {  	p2 =	seq.s32 s10, $0x1;
	s10 =	sld [smem:$0x3FB9]  }
0x3d: {  	_ =	shalt  }
0x3e: {  	_ =	shalt  }
0x3f: {  	_ =	shalt  }
0x40: {  	_ =	shalt  }
0x41: {  	_ =	shalt  }
0x42: {  	_ =	shalt  }
0x43: {  	_ =	shalt  }
0x44: {  	_ =	shalt  }
0x45: {  	_ =	shalt  }
0x46: {  	_ =	shalt  }
0x47: {  	_ =	shalt  }
0x48: {  	_ =	shalt  }
0x49: {  	_ =	shalt  }
0x4a: {  	_ =	shalt  }
0x4b: {  	_ =	shalt  }
0x4c: {  	_ =	shalt  }
0x4d: {  	_ =	shalt  }
0x4e: {  	_ =	shalt  }
0x4f: {  	_ =	shalt  }
0x50: {  	_ =	shalt  }
0x51: {  	_ =	shalt  }
0x52: {  	_ =	shalt  }
0x53: {  	_ =	shalt  }
0x54: {  	_ =	shalt  }
0x55: {  	_ =	shalt  }
0x56: {  	_ =	shalt  }
0x57: {  	_ =	shalt  }
0x58: {  	_ =	shalt  }
0x59: {  	_ =	shalt  }
0x5a: {  	_ =	shalt  }
0x5b: {  	_ =	shalt  }
0x5c: {  	_ =	shalt  }
0x5d: {  	_ =	shalt  }
0x5e: {  	_ =	shalt  }
0x5f: {  	_ =	shalt  }
0x60: {  	_ =	shalt  }
0x61: {  	_ =	shalt  }
0x62: {  	_ =	shalt  }
0x63: {  	_ =	shalt  }
0x64: {  	_ =	shalt  }
0x65: {  	_ =	shalt  }
0x66: {  	_ =	shalt  }
0x67: {  	_ =	shalt  }
0x68: {  	_ =	shalt  }
0x69: {  	_ =	shalt  }
0x6a: {  	_ =	shalt  }
0x6b: {  	_ =	shalt  }
0x6c: {  	_ =	shalt  }
0x6d: {  	_ =	shalt  }
0x6e: {  	_ =	shalt  }
0x6f: {  	_ =	shalt  }
0x70: {  	_ =	shalt  }
0x71: {  	_ =	shalt  }
0x72: {  	_ =	shalt  }
0x73: {  	_ =	shalt  }
0x74: {  	_ =	shalt  }
0x75: {  	_ =	shalt  }
0x76: {  	_ =	shalt  }
0x77: {  	_ =	shalt  }
0x78: {  	_ =	shalt  }
0x79: {  	_ =	shalt  }
0x7a: {  	_ =	shalt  }
0x7b: {  	_ =	shalt  }
0x7c: {  	_ =	shalt  }
0x7d: {  	_ =	shalt  }
0x7e: {  	_ =	shalt  }
0x7f: {  	_ =	shalt  }
0x80: {  	_ =	shalt  }
0x81: {  	_ =	shalt  }
0x82: {  	_ =	shalt  }
0x83: {  	_ =	shalt  }
0x84: {  	_ =	shalt  }
0x85: {  	_ =	shalt  }
0x86: {  	_ =	shalt  }
0x87: {  	_ =	shalt  }
.Lfunc_end0:
.L_simem_size_0:
called_computation_lowered:
.L_overlay_start_0:
0x88: {  	s2 =	sld [smem:$0x3FD9]  }
0x89: {  	s3 =	sld [smem:$0x3FFE];
	_ =	sdelay $0x1  }
0x8a: {  	s1 =	srdreg.scid  }
0x8b: {  	s0 =	sand.u32 $0x1, s1  }
0x8c: {  	s18 =	sshll.u32 s0, $0xA;
	s2 =	sadd.s32 s3, s2  }
0x8d: {  	s2 =	sadd.s32 s2, s18  }
0x8e: {  	[smem:$0x3FC5] =	sst s2  }
0x8f: {  	_ = 	snop  }
0x90: {  	s2 =	sld [smem:$0x3FC9]  }
0x91: {  	s19 =	sld [smem:$0x3FC8]  }
0x92: {  	s4 =	sld [smem:$0x3FC7]  }
0x93: {  	s5 =	sld [smem:$0x3FD0];
	(tm) =	ssettm $0x1  }
0x94: {  	s6 =	sld [smem:$0x3FFB];
	_ =	sdelay $0x3  }
0x95: {  	_ =	strace s6  }
0x96: {  	s6 =	sld [smem:$0x3FFC];
	_ =	sdelay $0x3  }
0x97: {  	_ =	strace s6  }
0x98: {  	s6 =	sld [smem:$0x3FFD];
	_ =	sdelay $0x3  }
0x99: {  	_ =	strace s6  }
0x9a: {  	_ =	strace $0x8FFFFFFF  }
0x9b: {  	s20 =	sld [smem:$0x3FDB];
	_ =	sdelay $0x1  }
0x9c: {  	s7 =	simm.s32 $_scs_section_size  }
0x9d: {  	s8 =	simm.s32 $_size__tile_overlayer_lowered;
	s9 =	simm.s32 $_tile_overlayer_lowered  }
0x9e: {  	s23 =	simm.s32 $0x1BFF;
	s22 =	sshll.u32 s9, $0x1;
	s6 =	sadd.s32 s7, s20  }
0x9f: {  	s10 =	simm.s32 $0x0;
	s21 =	sshll.u32 s8, $0x1;
	s8 =	sadd.s32 s22, s6  }
0xa0: {  	[timem:s10], [sflag:s23] =	dma.local [hbm:s8], s21  }
0xa1: {  	_ =	swait.ge [sflag:s23], s21  }
0xa2: {  	s7 =	ssub.s32 $0x0, s21;
	[sflag:s23] =	ssyncset.done $0x0  }
0xa3: {  	[sflag:s23] =	ssyncadd.s32 s7;
	_ =	sdelay $0x1  }
0xa4: {  	s24 =	simm.s32 $0x1B8B  }
0xa5: {  	_ =	swait.ge [sflag:s24], $0x1  }
0xa6: {  	[sflag:s24] =	ssyncset.done $0x0  }
0xa7: {  	s25 =	simm.s32 $0x1B8E;
	[sflag:s24] =	ssyncadd.s32 $0xFFFFFFFF  }
0xa8: {  	s26 =	simm.s32 $execute0_lowered;
	[smem:$0x3FD2] =	sst s25  }
0xa9: {  	s7 =	sshll.u32 s26, $0x1;
	_ =	strace $0x80000046;
	[dreg:$0x1] =	wrdreg $0xFFFFFFFF  }
0xaa: {  	s28 =	simm.s32 $_size_execute0_lowered;
	s6 =	sadd.s32 s6, s7;
	[dreg:$0x0] =	wrdreg $0x0  }
0xab: {  	s7 =	sshll.u32 s28, $0x1;
	[dreg:$0x2] =	wrdreg s6  }
0xac: {  	[dreg:$0x3] =	wrdreg s7  }
0xad: {  	[dreg:$0x4] =	wrdreg $0xC0  }
0xae: {  	_ =	task [dreg:s10], $0x5FFFF  }
0xaf: {  	[dreg:$0x1] =	wrdreg $0xFFFFFFFF  }
0xb0: {  	[dreg:$0x0] =	wrdreg $0x60  }
0xb1: {  	[dreg:$0x2] =	wrdreg s2  }
0xb2: {  	[dreg:$0x3] =	wrdreg s19  }
0xb3: {  	[dreg:$0x4] =	wrdreg s4  }
0xb4: {  	[dreg:$0x5] =	wrdreg s5  }
0xb5: {  	[dreg:$0x6] =	wrdreg $0x9  }
0xb6: {  	_ =	task.clear_ibuf [dreg:s10], $0x7FFFF;
	_ =	strace $0x90000046  }
0xb7: {  	s29 =	simm.s32 $0x9;
	_ =	strace $0x80000048  }
0xb8: {  	_ =	swait.ge [sflag:s29], $0x1  }
0xb9: {  	[sflag:s29] =	ssyncadd.s32 $0xFFFFFFFF  }
0xba: {  	_ =	strace $0x90000048  }
0xbb: {  	_ =	sfence  }
0xbc: {  	s30 =	sld [smem:$0x0];
	_ =	sdelay $0x2  }
0xbd: {  	s31 =	sshll.u32 s1, $0xD;
	s1 =	sshrl.u32 s1, $0x2  }
0xbe: {  	s3 =	sand.u32 $0x4000, s31;
	s1 =	sadd.s32 s1, s30  }
0xbf: {  	s0 =	sor.u32 s3, s0;
	s1 =	sshll.u32 s1, $0x11  }
0xc0: {  	s0 =	sor.u32 s1, s0  }
0xc1: {  	s0 =	sadd.s32 $0x8F2B, s0  }
0xc2: {  	[sflag:s0] =	ssyncadd.remote.s32 $0x1  }
0xc3: {  	_ =	sfence.sel $0xFFFF  }
0xc4: {  	[dreg:$0x0] =	wrdreg $0xFFFFFFFF;
	(pc) =	sbr.abs _section_cstart, $3  }
0xc5: {  	[dreg:$0x1] =	wrdreg $0xFFFFFFFF  }
0xc6: {  	_ =	task.clear_ibuf [dreg:s10], $0x2FFFF;
	_ =	strace $0x9FFFFFFF  }
0xc7: {  	(tm) =	ssettm $0x7FFFFFFF  }
tec
execute0_lowered:
.L_overlay_start_1:
0x0: {  	(tag) =	ssettag $0x1  }
0x1: {  	s3 =	rddreg [dreg:$0x0]  }
0x2: {  	s4 =	rddreg [dreg:$0x1]  }
0x3: {  	s5 =	rddreg [dreg:$0x3]  }
0x4: {  	s0 =	srdreg.scid;
	s1 =	stileid.u32  }
0x5: {  	s6 =	simm.s32 $0x0;
	s0 =	sand.u32 $0x1, s0;
	s1 =	sshll.u32 s1, $0xD  }
0x6: {  	[smem:$0x7FF] =	sst s6;
	s2 =	sshll.u32 s0, $0xC;
	s0 =	ssub.s32 $0x2, s0  }
0x7: {  	_ =	strace $0x80000047;
	s7 =	sor.u32 s2, s1;
	s28 =	sshrl.u32 s0, $0x1  }
0x8: {  	s2 =	sshrl.u32 s7, $0x3;
	[dreg:$0x5] =	wrdreg s7;
	s31 =	sor.u32 $0x40000, s7  }
0x9: {  	s0 =	ssub.s32 s0, s28;
	s29 =	sadd.s32 s3, s2;
	[dreg:$0x8] =	wrdreg s31  }
0xa: {  	s30 =	sadd.s32 s2, s5;
	s2 =	sadd.s32 s4, s2;
	[dreg:$0x6] =	wrdreg s29  }
0xb: {  	s0 =	smax.u32 s0, $0x1;
	[dreg:$0x7] =	wrdreg s2  }
0xc: {  	s1 =	sadd.s32 $0x60000, s30;
	[dreg:$0xa] =	wrdreg s0  }
0xd: {  	s2 =	simm.s32 $0x0;
	[dreg:$0x9] =	wrdreg s1  }
.LBB2_1:
0xe: {  	[dreg:$0xb] =	wrdreg s2  }
0xf: {  	s0 =	rddreg [dreg:$0x2];
	s26 =	simm.s32 $0x7  }
0x10: {  	[tilespmem:s6], [sflag:$0x7] =	stream.linear.gather [hbm4b:s0+s6], $0x40, $0x38;
	[tilespmem:$0x6080] =	vst v63  }
0x11: {  	_ =	swait.ge [sflag:s26], $0x40  }
0x12: {  	[sflag:s26] =	ssyncset.done $0x0  }
0x13: {  	s1 =	simm.s32 $0x80;
	s29 =	rddreg [dreg:$0x6];
	[sflag:s26] =	ssyncadd.s32 $0xFFFFFFC0  }
0x14: {  	[tilespmem:s1], [sflag:$0x1] =	stream.linear.gather [hbm4b:s29+s6], $0x1000, $0x38;
	[tilespmem:$0x6080] =	vst v63  }
0x15: {  	s31 =	simm.s32 $0x2080;
	s28 =	simm.s32 $0x0;
	s30 =	rddreg [dreg:$0x7]  }
0x16: {  	[tilespmem:s31], [sflag:$0x3] =	stream.linear.gather [hbm4b:s30+s6], $0x1000, $0x38;
	[tilespmem:$0x6080] =	vst v63  }
.LBB2_2:
0x17: {  	s30 =	sshll.u32 s28, $0x12;
	s0 =	rddreg [dreg:$0x5]  }
0x18: {  	s0 =	sor.u32 s0, s30  }
0x19: {  	s31 =	sshrl.u32 s0, $0x3  }
0x1a: {  	s14 =	rddreg [dreg:$0x0];
	s29 =	sor.u32 $0x4000, s31  }
0x1b: {  	s1 =	simm.s32 $0x1080;
	s15 =	rddreg [dreg:$0x1];
	s0 =	sadd.s32 s14, s29  }
0x1c: {  	[tilespmem:s1], [sflag:$0x2] =	stream.linear.gather [hbm4b:s0+s6], $0x1000, $0x38;
	[tilespmem:$0x6080] =	vst v63  }
0x1d: {  	s16 =	simm.s32 $0x3080;
	s17 =	simm.s32 $0x1;
	s0 =	sadd.s32 s15, s29  }
0x1e: {  	[tilespmem:s16], [sflag:$0x4] =	stream.linear.gather [hbm4b:s0+s6], $0x1000, $0x38;
	[tilespmem:$0x6080] =	vst v63  }
0x1f: {  	_ =	swait.ge [sflag:s17], $0x1000  }
0x20: {  	[sflag:s17] =	ssyncset.done $0x0  }
0x21: {  	s18 =	simm.s32 $0x3;
	[sflag:s17] =	ssyncadd.s32 $0xFFFFF000  }
0x22: {  	_ =	swait.ge [sflag:s18], $0x1000  }
0x23: {  	p0 =	seq.s32 s28, $0x0;
	[sflag:s18] =	ssyncset.done $0x0  }
0x24: {  	s0 =	simm.s32 @!p0 $0x5;
	[sflag:s18] =	ssyncadd.s32 $0xFFFFF000  }
0x25: {  	s11 =	simm.s32 $0x0;
	s12 =	simm.s32 $0x0;
	_ =	swait.ge @!p0 [sflag:s0], $0x1000  }
0x26: {  	s19 =	sand.u32 $0x40, s12;
	s2 =	sand.u32 $0xC00, s11;
	[sflag:s0] =	ssyncset.done @!p0 $0x0  }
0x27: {  	s20 =	sor.u32 s19, s2;
	[sflag:s0] =	ssyncadd.s32 @!p0 $0xFFFFF000  }
0x28: {  	v0 =	vld [tilespmem:s20+$0x80]  }
0x29: {  	v1 =	vld [tilespmem:s20+$0x90]  }
0x2a: {  	v2 =	vld [tilespmem:s20+$0xA0]  }
0x2b: {  	v3 =	vld [tilespmem:s20+$0xB0]  }
0x2c: {  	v4 =	vld [tilespmem:s20+$0x2080]  }
0x2d: {  	v5 =	vld [tilespmem:s20+$0x100]  }
0x2e: {  	v6 =	vld [tilespmem:s20+$0x2090]  }
0x2f: {  	v7 =	vld [tilespmem:s20+$0x20A0]  }
0x30: {  	v8 =	vld [tilespmem:s20+$0x2100]  }
0x31: {  	v0 =	vld.idx.msk [tilespmem:v0+s6+$0x0], $0xffff  }
0x32: {  	v9 =	vld [tilespmem:s20+$0x110]  }
0x33: {  	v10 =	vld [tilespmem:s20+$0x120]  }
0x34: {  	v11 =	vld [tilespmem:s20+$0x130]  }
0x35: {  	v1 =	vld.idx.msk [tilespmem:v1+s6+$0x0], $0xffff  }
0x36: {  	v2 =	vld.idx.msk [tilespmem:v2+s6+$0x0], $0xffff;
	v0 =	vadd.f32 v4, v0  }
0x37: {  	v3 =	vld.idx.msk [tilespmem:v3+s6+$0x0], $0xffff  }
0x38: {  	v4 =	vld [tilespmem:s20+$0x20B0];
	[tilespmem:s20+$0x4080] =	vst v0  }
0x39: {  	v0 =	vld.idx.msk [tilespmem:v5+s6+$0x0], $0xffff  }
0x3a: {  	v5 =	vld [tilespmem:s20+$0x180]  }
0x3b: {  	v12 =	vld [tilespmem:s20+$0x2110];
	v1 =	vadd.f32 v6, v1  }
0x3c: {  	v13 =	vld [tilespmem:s20+$0x2130];
	v2 =	vadd.f32 v7, v2  }
0x3d: {  	v6 =	vld [tilespmem:s20+$0x1A0];
	[tilespmem:s20+$0x4090] =	vst v1  }
0x3e: {  	[tilespmem:s20+$0x40A0] =	vst v2;
	v2 =	vld.idx.msk [tilespmem:v9+s6+$0x0], $0xffff;
	v1 =	vadd.f32 v4, v3  }
0x3f: {  	v3 =	vld [tilespmem:s20+$0x2180];
	v0 =	vadd.f32 v8, v0  }
0x40: {  	[tilespmem:s20+$0x40B0] =	vst v1;
	v1 =	vld.idx.msk [tilespmem:v10+s6+$0x0], $0xffff  }
0x41: {  	v8 =	vld [tilespmem:s20+$0x2120];
	[tilespmem:s20+$0x4100] =	vst v0  }
0x42: {  	v5 =	vld.idx.msk [tilespmem:v5+s6+$0x0], $0xffff  }
0x43: {  	v4 =	vld.idx.msk [tilespmem:v11+s6+$0x0], $0xffff  }
0x44: {  	v0 =	vld [tilespmem:s20+$0x190]  }
0x45: {  	v2 =	vadd.f32 v12, v2  }
0x46: {  	v7 =	vld [tilespmem:s20+$0x2190];
	v1 =	vadd.f32 v8, v1  }
0x47: {  	[tilespmem:s20+$0x4110] =	vst v2;
	v3 =	vadd.f32 v3, v5;
	v5 =	vld [tilespmem:s20+$0x1B0]  }
0x48: {  	s21 =	sor.u32 s2, s12;
	v2 =	vld [tilespmem:s20+$0x21B0];
	[tilespmem:s20+$0x4120] =	vst v1  }
0x49: {  	s1 =	sor.u32 $0x180, s21;
	v4 =	vadd.f32 v13, v4;
	v1 =	vld [tilespmem:s20+$0x210];
	[tilespmem:s20+$0x4180] =	vst v3  }
0x4a: {  	v9 =	vld [tilespmem:s1+$0x80]  }
0x4b: {  	[tilespmem:s20+$0x4130] =	vst v4;
	v4 =	vld.idx.msk [tilespmem:v6+s6+$0x0], $0xffff  }
0x4c: {  	v0 =	vld.idx.msk [tilespmem:v0+s6+$0x0], $0xffff  }
0x4d: {  	v6 =	vld [tilespmem:s20+$0x220]  }
0x4e: {  	v3 =	vld [tilespmem:s20+$0x21A0]  }
0x4f: {  	v5 =	vld.idx.msk [tilespmem:v5+s6+$0x0], $0xffff  }
0x50: {  	v8 =	vld [tilespmem:s20+$0x230]  }
0x51: {  	v0 =	vadd.f32 v7, v0;
	v7 =	vld [tilespmem:s1+$0x2080]  }
0x52: {  	v9 =	vld.idx.msk [tilespmem:v9+s6+$0x0], $0xffff  }
0x53: {  	v3 =	vadd.f32 v3, v4;
	[tilespmem:s20+$0x4190] =	vst v0;
	v0 =	vld [tilespmem:s20+$0x2210]  }
0x54: {  	v1 =	vld.idx.msk [tilespmem:v1+s6+$0x0], $0xffff;
	v2 =	vadd.f32 v2, v5  }
0x55: {  	p1 =	por $0x0, $0x0;
	s2 =	simm.s32 $0x1;
	v4 =	vld [tilespmem:s20+$0x2220];
	[tilespmem:s20+$0x41A0] =	vst v3  }
0x56: {  	s2 =	simm.s32 @!p1 $0x0;
	[tilespmem:s20+$0x41B0] =	vst v2;
	v2 =	vld.idx.msk [tilespmem:v6+s6+$0x0], $0xffff  }
0x57: {  	s2 =	sshll.u32 s2, $0x6;
	v3 =	vld [tilespmem:s20+$0x2230];
	v5 =	vadd.f32 v7, v9  }
0x58: {  	s2 =	sadd.s32 $0x0, s2;
	v6 =	vld.idx.msk [tilespmem:v8+s6+$0x0], $0xffff  }
0x59: {  	s22 =	sor.u32 $0x200, s2;
	v0 =	vadd.f32 v0, v1;
	[tilespmem:s1+$0x4080] =	vst v5  }
0x5a: {  	s9 =	sadd.s32 $0x10, s2;
	v5 =	vld [tilespmem:s22+$0x80]  }
0x5b: {  	s3 =	sor.u32 $0x200, s9;
	[tilespmem:s20+$0x4210] =	vst v0;
	v1 =	vadd.f32 v4, v2  }
0x5c: {  	s4 =	sadd.s32 $0x20, s2;
	v2 =	vld [tilespmem:s3+$0x80]  }
0x5d: {  	s5 =	sor.u32 $0x200, s4;
	v0 =	vadd.f32 v3, v6;
	[tilespmem:s20+$0x4220] =	vst v1  }
0x5e: {  	s8 =	sadd.s32 $0x30, s2;
	v1 =	vld [tilespmem:s5+$0x80]  }
0x5f: {  	s7 =	sor.u32 $0x200, s8;
	[tilespmem:s20+$0x4230] =	vst v0  }
0x60: {  	v0 =	vld [tilespmem:s7+$0x80]  }
0x61: {  	v4 =	vld [tilespmem:s22+$0x2080]  }
0x62: {  	v3 =	vld.idx.msk [tilespmem:v5+s6+$0x0], $0xffff  }
0x63: {  	v5 =	vld [tilespmem:s3+$0x2080]  }
0x64: {  	v2 =	vld.idx.msk [tilespmem:v2+s6+$0x0], $0xffff  }
0x65: {  	v6 =	vld [tilespmem:s5+$0x2080]  }
0x66: {  	v1 =	vld.idx.msk [tilespmem:v1+s6+$0x0], $0xffff  }
0x67: {  	v7 =	vld [tilespmem:s7+$0x2080];
	v3 =	vadd.f32 v4, v3  }
0x68: {  	v0 =	vld.idx.msk [tilespmem:v0+s6+$0x0], $0xffff  }
0x69: {  	s23 =	sor.u32 $0x280, s2;
	v2 =	vadd.f32 v5, v2;
	[tilespmem:s22+$0x4080] =	vst v3  }
0x6a: {  	v3 =	vld [tilespmem:s23+$0x80]  }
0x6b: {  	s24 =	sor.u32 $0x280, s9;
	[tilespmem:s3+$0x4080] =	vst v2;
	v4 =	vld [tilespmem:s23+$0x2080];
	v1 =	vadd.f32 v6, v1  }
0x6c: {  	v2 =	vld [tilespmem:s24+$0x80]  }
0x6d: {  	s25 =	sor.u32 $0x280, s4;
	v5 =	vld [tilespmem:s24+$0x2080];
	v0 =	vadd.f32 v7, v0;
	[tilespmem:s5+$0x4080] =	vst v1  }
0x6e: {  	v1 =	vld [tilespmem:s25+$0x80]  }
0x6f: {  	s26 =	sor.u32 $0x280, s8;
	[tilespmem:s7+$0x4080] =	vst v0;
	v6 =	vld [tilespmem:s25+$0x2080]  }
0x70: {  	s0 =	simm.s32 $0x40;
	s3 =	simm.s32 $0x200;
	v0 =	vld [tilespmem:s26+$0x80]  }
0x71: {  	s5 =	sand.u32 $0x40, s0;
	s7 =	sand.u32 $0xC00, s3;
	v7 =	vld [tilespmem:s26+$0x2080]  }
0x72: {  	s14 =	sor.u32 s5, s7;
	v3 =	vld.idx.msk [tilespmem:v3+s6+$0x0], $0xffff  }
0x73: {  	v8 =	vld [tilespmem:s14+$0xA0]  }
0x74: {  	v9 =	vld [tilespmem:s14+$0xB0]  }
0x75: {  	v10 =	vld [tilespmem:s14+$0x2090]  }
0x76: {  	v11 =	vld [tilespmem:s14+$0x20A0]  }
0x77: {  	v49 =	vld [tilespmem:s14+$0x100];
	v3 =	vadd.f32 v4, v3  }
0x78: {  	v50 =	vld [tilespmem:s14+$0x20B0]  }
0x79: {  	s2 =	sor.u32 $0x300, s2;
	v14 =	vld [tilespmem:s14+$0x180];
	[tilespmem:s23+$0x4080] =	vst v3  }
0x7a: {  	v3 =	vld [tilespmem:s2+$0x80]  }
0x7b: {  	v0 =	vld.idx.msk [tilespmem:v0+s6+$0x0], $0xffff  }
0x7c: {  	v15 =	vld [tilespmem:s14+$0x110]  }
0x7d: {  	v16 =	vld [tilespmem:s14+$0x120]  }
0x7e: {  	v1 =	vld.idx.msk [tilespmem:v1+s6+$0x0], $0xffff  }
0x7f: {  	v17 =	vld [tilespmem:s14+$0x130]  }
0x80: {  	v18 =	vld [tilespmem:s14+$0x2110];
	v0 =	vadd.f32 v7, v0  }
0x81: {  	v51 =	vld [tilespmem:s14+$0x2120]  }
0x82: {  	[tilespmem:s26+$0x4080] =	vst v0;
	v0 =	vld.idx.msk [tilespmem:v3+s6+$0x0], $0xffff  }
0x83: {  	v1 =	vadd.f32 v6, v1;
	v3 =	vld [tilespmem:s14+$0x80]  }
0x84: {  	v19 =	vld [tilespmem:s14+$0x2130]  }
0x85: {  	[tilespmem:s25+$0x4080] =	vst v1;
	v1 =	vld [tilespmem:s2+$0x2080]  }
0x86: {  	v2 =	vld.idx.msk [tilespmem:v2+s6+$0x0], $0xffff  }
0x87: {  	v52 =	vld [tilespmem:s14+$0x1A0]  }
0x88: {  	v7 =	vld [tilespmem:s14+$0x90]  }
0x89: {  	v53 =	vld [tilespmem:s14+$0x2190]  }
0x8a: {  	v0 =	vadd.f32 v1, v0;
	v1 =	vld [tilespmem:s14+$0x2080]  }
0x8b: {  	v2 =	vadd.f32 v5, v2;
	v3 =	vld.idx.msk [tilespmem:v3+s6+$0x0], $0xffff  }
0x8c: {  	v55 =	vld [tilespmem:s14+$0x220]  }
0x8d: {  	s17 =	sor.u32 $0x300, s9;
	v56 =	vld [tilespmem:s14+$0x230];
	[tilespmem:s24+$0x4080] =	vst v2  }
0x8e: {  	v2 =	vld [tilespmem:s17+$0x80]  }
0x8f: {  	v8 =	vld.idx.msk [tilespmem:v8+s6+$0x0], $0xffff  }
0x90: {  	v7 =	vld.idx.msk [tilespmem:v7+s6+$0x0], $0xffff;
	v1 =	vadd.f32 v1, v3  }
0x91: {  	v9 =	vld.idx.msk [tilespmem:v9+s6+$0x0], $0xffff  }
0x92: {  	v3 =	vld [tilespmem:s14+$0x2100];
	[tilespmem:s14+$0x4080] =	vst v1  }
0x93: {  	v12 =	vld.idx.msk [tilespmem:v49+s6+$0x0], $0xffff  }
0x94: {  	s16 =	sor.u32 $0x300, s4;
	v4 =	vld [tilespmem:s17+$0x2080]  }
0x95: {  	v5 =	vld [tilespmem:s16+$0x80];
	v7 =	vadd.f32 v10, v7  }
0x96: {  	v8 =	vadd.f32 v11, v8;
	v2 =	vld.idx.msk [tilespmem:v2+s6+$0x0], $0xffff  }
0x97: {  	[tilespmem:s14+$0x4090] =	vst v7;
	v7 =	vadd.f32 v50, v9;
	v9 =	vld [tilespmem:s14+$0x2180]  }
0x98: {  	[tilespmem:s14+$0x40A0] =	vst v8;
	v8 =	vld.idx.msk [tilespmem:v15+s6+$0x0], $0xffff;
	v3 =	vadd.f32 v3, v12  }
0x99: {  	[tilespmem:s14+$0x40B0] =	vst v7;
	v7 =	vld.idx.msk [tilespmem:v16+s6+$0x0], $0xffff  }
0x9a: {  	[tilespmem:s14+$0x4100] =	vst v3;
	v3 =	vld [tilespmem:s14+$0x190]  }
0x9b: {  	s13 =	sor.u32 $0x300, s8;
	v10 =	vld.idx.msk [tilespmem:v14+s6+$0x0], $0xffff  }
0x9c: {  	v6 =	vld [tilespmem:s13+$0x80]  }
0x9d: {  	v5 =	vld.idx.msk [tilespmem:v5+s6+$0x0], $0xffff  }
0x9e: {  	v11 =	vld.idx.msk [tilespmem:v17+s6+$0x0], $0xffff;
	v8 =	vadd.f32 v18, v8  }
0x9f: {  	v2 =	vadd.f32 v4, v2;
	v4 =	vld [tilespmem:s13+$0x2080];
	v7 =	vadd.f32 v51, v7  }
0xa0: {  	[tilespmem:s14+$0x4110] =	vst v8;
	v9 =	vadd.f32 v9, v10;
	v10 =	vld [tilespmem:s14+$0x1B0]  }
0xa1: {  	s10 =	sor.u32 s11, s12;
	s11 =	sor.u32 s7, s0;
	[tilespmem:s14+$0x4120] =	vst v7;
	v7 =	vld [tilespmem:s14+$0x210]  }
0xa2: {  	s1 =	sor.u32 $0x180, s11;
	[tilespmem:s14+$0x4180] =	vst v9;
	v3 =	vld.idx.msk [tilespmem:v3+s6+$0x0], $0xffff  }
0xa3: {  	v11 =	vadd.f32 v19, v11;
	v54 =	vld [tilespmem:s1+$0x80]  }
0xa4: {  	v8 =	vld [tilespmem:s14+$0x21B0]  }
0xa5: {  	[tilespmem:s14+$0x4130] =	vst v11;
	v11 =	vld.idx.msk [tilespmem:v52+s6+$0x0], $0xffff  }
0xa6: {  	v9 =	vld [tilespmem:s14+$0x21A0]  }
0xa7: {  	v57 =	vld [tilespmem:s1+$0x2080];
	v3 =	vadd.f32 v53, v3  }
0xa8: {  	v10 =	vld.idx.msk [tilespmem:v10+s6+$0x0], $0xffff  }
0xa9: {  	[tilespmem:s14+$0x4190] =	vst v3;
	v3 =	vld [tilespmem:s14+$0x2210]  }
0xaa: {  	v7 =	vld.idx.msk [tilespmem:v7+s6+$0x0], $0xffff  }
0xab: {  	s12 =	sor.u32 $0x380, s10;
	[tilespmem:s2+$0x4080] =	vst v0;
	v9 =	vadd.f32 v9, v11;
	v15 =	vld.idx.msk [tilespmem:v54+s6+$0x0], $0xffff  }
0xac: {  	p1 =	por !p1, !p1;
	s2 =	simm.s32 $0x1;
	v0 =	vld [tilespmem:s12+$0x80]  }
0xad: {  	s2 =	simm.s32 @!p1 $0x0;
	[tilespmem:s14+$0x41A0] =	vst v9;
	v9 =	vld [tilespmem:s14+$0x2230];
	v8 =	vadd.f32 v8, v10  }
0xae: {  	s2 =	sshll.u32 s2, $0x6;
	v11 =	vld.idx.msk [tilespmem:v55+s6+$0x0], $0xffff  }
0xaf: {  	s2 =	sadd.s32 $0x200, s2;
	v10 =	vld [tilespmem:s14+$0x2220];
	[tilespmem:s14+$0x41B0] =	vst v8;
	v3 =	vadd.f32 v3, v7  }
0xb0: {  	s18 =	sadd.s32 $0x10, s2;
	v8 =	vadd.f32 v57, v15;
	v58 =	vld.idx.msk [tilespmem:v56+s6+$0x0], $0xffff  }
0xb1: {  	s19 =	sor.u32 $0x200, s18;
	[tilespmem:s14+$0x4210] =	vst v3;
	v3 =	vld.idx.msk [tilespmem:v6+s6+$0x0], $0xffff  }
0xb2: {  	s15 =	sor.u32 $0x200, s2;
	[tilespmem:s1+$0x4080] =	vst v8;
	v6 =	vld [tilespmem:s19+$0x80]  }
0xb3: {  	v8 =	vld [tilespmem:s15+$0x80]  }
0xb4: {  	v1 =	vld [tilespmem:s12+$0x2080]  }
0xb5: {  	v7 =	vadd.f32 v10, v11;
	v10 =	vld [tilespmem:s19+$0x2080]  }
0xb6: {  	s20 =	sadd.s32 $0x20, s2;
	v59 =	vld [tilespmem:s15+$0x2080];
	v9 =	vadd.f32 v9, v58  }
0xb7: {  	s23 =	sadd.s32 $0x30, s2;
	s10 =	sor.u32 $0x200, s20;
	[tilespmem:s14+$0x4220] =	vst v7;
	v7 =	vld [tilespmem:s16+$0x2080]  }
0xb8: {  	s21 =	sor.u32 $0x200, s23;
	[tilespmem:s14+$0x4230] =	vst v9;
	v9 =	vld [tilespmem:s10+$0x80]  }
0xb9: {  	v11 =	vld [tilespmem:s21+$0x80]  }
0xba: {  	v6 =	vld.idx.msk [tilespmem:v6+s6+$0x0], $0xffff  }
0xbb: {  	s9 =	sor.u32 $0x380, s9;
	[tilespmem:s17+$0x4080] =	vst v2;
	v8 =	vld.idx.msk [tilespmem:v8+s6+$0x0], $0xffff  }
0xbc: {  	v2 =	vadd.f32 v7, v5;
	v7 =	vld [tilespmem:s9+$0x80]  }
0xbd: {  	v0 =	vld.idx.msk [tilespmem:v0+s6+$0x0], $0xffff  }
0xbe: {  	v60 =	vld [tilespmem:s10+$0x2080]  }
0xbf: {  	v61 =	vld [tilespmem:s21+$0x2080];
	v6 =	vadd.f32 v10, v6  }
0xc0: {  	v9 =	vld.idx.msk [tilespmem:v9+s6+$0x0], $0xffff;
	v8 =	vadd.f32 v59, v8  }
0xc1: {  	v5 =	vld.idx.msk [tilespmem:v11+s6+$0x0], $0xffff;
	[tilespmem:s19+$0x4080] =	vst v6  }
0xc2: {  	s22 =	sor.u32 $0x280, s2;
	v6 =	vld [tilespmem:s9+$0x2080];
	[tilespmem:s15+$0x4080] =	vst v8  }
0xc3: {  	[tilespmem:s16+$0x4080] =	vst v2;
	v2 =	vld [tilespmem:s22+$0x80]  }
0xc4: {  	s4 =	sor.u32 $0x380, s4;
	v3 =	vadd.f32 v4, v3;
	v7 =	vld.idx.msk [tilespmem:v7+s6+$0x0], $0xffff  }
0xc5: {  	s24 =	sor.u32 $0x280, s18;
	v8 =	vld [tilespmem:s4+$0x80];
	v9 =	vadd.f32 v60, v9  }
0xc6: {  	[tilespmem:s13+$0x4080] =	vst v3;
	v4 =	vld [tilespmem:s24+$0x80];
	v5 =	vadd.f32 v61, v5  }
0xc7: {  	s25 =	sor.u32 $0x280, s20;
	v3 =	vld [tilespmem:s24+$0x2080];
	[tilespmem:s10+$0x4080] =	vst v9  }
0xc8: {  	s26 =	sor.u32 $0x280, s23;
	[tilespmem:s21+$0x4080] =	vst v5;
	v5 =	vld [tilespmem:s25+$0x80]  }
0xc9: {  	v10 =	vld [tilespmem:s26+$0x80]  }
0xca: {  	v11 =	vld [tilespmem:s22+$0x2080]  }
0xcb: {  	s8 =	sor.u32 $0x380, s8;
	v2 =	vld.idx.msk [tilespmem:v2+s6+$0x0], $0xffff  }
0xcc: {  	v9 =	vld [tilespmem:s8+$0x80]  }
0xcd: {  	v62 =	vld [tilespmem:s25+$0x2080]  }
0xce: {  	v4 =	vld.idx.msk [tilespmem:v4+s6+$0x0], $0xffff  }
0xcf: {  	v63 =	vld [tilespmem:s26+$0x2080]  }
0xd0: {  	v2 =	vadd.f32 v11, v2;
	v11 =	vld.idx.msk [tilespmem:v5+s6+$0x0], $0xffff  }
0xd1: {  	v10 =	vld.idx.msk [tilespmem:v10+s6+$0x0], $0xffff  }
0xd2: {  	s15 =	sor.u32 $0x300, s2;
	v5 =	vld.idx.msk [tilespmem:v8+s6+$0x0], $0xffff;
	[tilespmem:s22+$0x4080] =	vst v2  }
0xd3: {  	v2 =	vadd.f32 v3, v4;
	v8 =	vld [tilespmem:s15+$0x80]  }
0xd4: {  	v0 =	vadd.f32 v1, v0;
	v4 =	vld.idx.msk [tilespmem:v9+s6+$0x0], $0xffff  }
0xd5: {  	[tilespmem:s24+$0x4080] =	vst v2;
	v2 =	vadd.f32 v6, v7;
	v6 =	vld [tilespmem:s4+$0x2080]  }
0xd6: {  	s11 =	sor.u32 $0x300, s18;
	[tilespmem:s12+$0x4080] =	vst v0;
	v7 =	vld [tilespmem:s8+$0x2080];
	v3 =	vadd.f32 v62, v11  }
0xd7: {  	s17 =	sor.u32 $0x380, s20;
	v1 =	vld [tilespmem:s11+$0x80];
	v9 =	vadd.f32 v63, v10;
	[tilespmem:s9+$0x4080] =	vst v2  }
0xd8: {  	s12 =	sor.u32 $0x300, s20;
	s13 =	sor.u32 $0x300, s23;
	s16 =	sor.u32 $0x380, s23;
	v0 =	vld [tilespmem:s11+$0x2080];
	[tilespmem:s25+$0x4080] =	vst v3  }
0xd9: {  	s24 =	simm.s32 $0x200;
	s9 =	sor.u32 $0x380, s18;
	[tilespmem:s26+$0x4080] =	vst v9;
	s25 =	simm.s32 $0x40;
	v2 =	vld [tilespmem:s12+$0x80]  }
.LBB2_3:
0xda: {  	s0 =	sadd.s32 $0x40, s0;
	v3 =	vld [tilespmem:s13+$0x80];
	s3 =	sadd.s32 $0x200, s3;
	v5 =	vadd.f32 v6, v5  }
0xdb: {  	s2 =	sand.u32 $0x40, s0;
	s1 =	sand.u32 $0xC00, s3;
	p2 =	slt.u32 s0, $0x1C0;
	v6 =	vld.idx.msk [tilespmem:v8+s6+$0x0], $0xffff  }
0xdc: {  	s26 =	sor.u32 s2, s1;
	v8 =	vld [tilespmem:s15+$0x2080];
	[tilespmem:s4+$0x4080] =	vst v5;
	s4 =	smov.u32 s17  }
0xdd: {  	v5 =	vld [tilespmem:s26+$0x80];
	v4 =	vadd.f32 v7, v4  }
0xde: {  	v7 =	vld [tilespmem:s26+$0x90]  }
0xdf: {  	v9 =	vld [tilespmem:s26+$0xA0];
	[tilespmem:s8+$0x4080] =	vst v4;
	s8 =	smov.u32 s16  }
0xe0: {  	v4 =	vld [tilespmem:s26+$0xB0]  }
0xe1: {  	v10 =	vld [tilespmem:s26+$0x2090];
	v6 =	vadd.f32 v8, v6  }
0xe2: {  	s2 =	sor.u32 s24, s25;
	s25 =	smov.u32 s0;
	s24 =	smov.u32 s3;
	v8 =	vld [tilespmem:s26+$0x20A0]  }
0xe3: {  	s2 =	sor.u32 $0x380, s2;
	v11 =	vld [tilespmem:s26+$0x2080];
	[tilespmem:s15+$0x4080] =	vst v6  }
0xe4: {  	v6 =	vld [tilespmem:s2+$0x80]  }
0xe5: {  	v5 =	vld.idx.msk [tilespmem:v5+s6+$0x0], $0xffff  }
0xe6: {  	v12 =	vld [tilespmem:s26+$0x100]  }
0xe7: {  	v7 =	vld.idx.msk [tilespmem:v7+s6+$0x0], $0xffff  }
0xe8: {  	v9 =	vld.idx.msk [tilespmem:v9+s6+$0x0], $0xffff  }
0xe9: {  	v4 =	vld.idx.msk [tilespmem:v4+s6+$0x0], $0xffff  }
0xea: {  	v13 =	vld [tilespmem:s26+$0x20B0]  }
0xeb: {  	v5 =	vadd.f32 v11, v5;
	v11 =	vld [tilespmem:s26+$0x2100]  }
0xec: {  	v6 =	vld.idx.msk [tilespmem:v6+s6+$0x0], $0xffff  }
0xed: {  	[tilespmem:s26+$0x4080] =	vst v5;
	v5 =	vadd.f32 v10, v7;
	v7 =	vld [tilespmem:s2+$0x2080]  }
0xee: {  	v8 =	vadd.f32 v8, v9;
	v10 =	vld.idx.msk [tilespmem:v12+s6+$0x0], $0xffff  }
0xef: {  	v9 =	vld [tilespmem:s26+$0x180];
	[tilespmem:s26+$0x4090] =	vst v5;
	v4 =	vadd.f32 v13, v4  }
0xf0: {  	v5 =	vld [tilespmem:s26+$0x110];
	[tilespmem:s26+$0x40A0] =	vst v8  }
0xf1: {  	v8 =	vld [tilespmem:s26+$0x120];
	[tilespmem:s26+$0x40B0] =	vst v4  }
0xf2: {  	v4 =	vld [tilespmem:s26+$0x130];
	v6 =	vadd.f32 v7, v6  }
0xf3: {  	v7 =	vld [tilespmem:s26+$0x2110]  }
0xf4: {  	v10 =	vadd.f32 v11, v10;
	v11 =	vld [tilespmem:s26+$0x2120];
	[tilespmem:s2+$0x4080] =	vst v6  }
0xf5: {  	v6 =	vld [tilespmem:s26+$0x2130]  }
0xf6: {  	[tilespmem:s26+$0x4100] =	vst v10;
	v10 =	vld [tilespmem:s26+$0x190]  }
0xf7: {  	v9 =	vld.idx.msk [tilespmem:v9+s6+$0x0], $0xffff  }
0xf8: {  	v12 =	vld [tilespmem:s26+$0x2180]  }
0xf9: {  	v5 =	vld.idx.msk [tilespmem:v5+s6+$0x0], $0xffff  }
0xfa: {  	v8 =	vld.idx.msk [tilespmem:v8+s6+$0x0], $0xffff  }
0xfb: {  	v4 =	vld.idx.msk [tilespmem:v4+s6+$0x0], $0xffff  }
0xfc: {  	v13 =	vld [tilespmem:s26+$0x1A0]  }
0xfd: {  	v9 =	vadd.f32 v12, v9;
	v12 =	vld [tilespmem:s26+$0x1B0]  }
0xfe: {  	s1 =	sor.u32 s1, s25;
	v14 =	vld [tilespmem:s26+$0x2190]  }
0xff: {  	s1 =	sor.u32 $0x180, s1;
	v5 =	vadd.f32 v7, v5;
	[tilespmem:s26+$0x4180] =	vst v9;
	v7 =	vld [tilespmem:s26+$0x21A0]  }
0x100: {  	v8 =	vadd.f32 v11, v8;
	v9 =	vld [tilespmem:s1+$0x80]  }
0x101: {  	v4 =	vadd.f32 v6, v4;
	[tilespmem:s26+$0x4110] =	vst v5;
	v5 =	vld [tilespmem:s26+$0x21B0]  }
0x102: {  	v6 =	vld.idx.msk [tilespmem:v10+s6+$0x0], $0xffff;
	[tilespmem:s26+$0x4120] =	vst v8  }
0x103: {  	v8 =	vld [tilespmem:s26+$0x210];
	[tilespmem:s26+$0x4130] =	vst v4  }
0x104: {  	v4 =	vld.idx.msk [tilespmem:v13+s6+$0x0], $0xffff  }
0x105: {  	v10 =	vld.idx.msk [tilespmem:v12+s6+$0x0], $0xffff  }
0x106: {  	v11 =	vld [tilespmem:s26+$0x220]  }
0x107: {  	v12 =	vld [tilespmem:s26+$0x230]  }
0x108: {  	v6 =	vadd.f32 v14, v6;
	v9 =	vld.idx.msk [tilespmem:v9+s6+$0x0], $0xffff  }
0x109: {  	v13 =	vld [tilespmem:s1+$0x2080]  }
0x10a: {  	v4 =	vadd.f32 v7, v4;
	[tilespmem:s26+$0x4190] =	vst v6;
	v6 =	vld [tilespmem:s26+$0x2210]  }
0x10b: {  	v5 =	vadd.f32 v5, v10;
	v7 =	vld.idx.msk [tilespmem:v8+s6+$0x0], $0xffff  }
0x10c: {  	p1 =	por !p1, !p1;
	s2 =	simm.s32 $0x1;
	[tilespmem:s26+$0x41A0] =	vst v4;
	v4 =	vld [tilespmem:s26+$0x2220]  }
0x10d: {  	s2 =	simm.s32 @!p1 $0x0;
	[tilespmem:s26+$0x41B0] =	vst v5;
	v5 =	vld [tilespmem:s26+$0x2230]  }
0x10e: {  	s2 =	sshll.u32 s2, $0x6;
	v8 =	vadd.f32 v13, v9;
	v9 =	vld.idx.msk [tilespmem:v11+s6+$0x0], $0xffff  }
0x10f: {  	s15 =	sadd.s32 s2, s3;
	v10 =	vld.idx.msk [tilespmem:v12+s6+$0x0], $0xffff  }
0x110: {  	s10 =	sor.u32 $0x200, s15;
	s16 =	sadd.s32 $0x20, s15;
	[tilespmem:s1+$0x4080] =	vst v8;
	s1 =	sadd.s32 $0x10, s15;
	v1 =	vld.idx.msk [tilespmem:v1+s6+$0x0], $0xffff  }
0x111: {  	s21 =	sadd.s32 $0x30, s15;
	s2 =	sor.u32 $0x200, s16;
	v6 =	vadd.f32 v6, v7;
	v8 =	vld [tilespmem:s10+$0x80];
	s7 =	sor.u32 $0x200, s1  }
0x112: {  	s23 =	sor.u32 $0x280, s16;
	s5 =	sor.u32 $0x200, s21;
	s20 =	sor.u32 $0x280, s1;
	v2 =	vld.idx.msk [tilespmem:v2+s6+$0x0], $0xffff  }
0x113: {  	s18 =	sor.u32 $0x300, s16;
	s14 =	sor.u32 $0x280, s21;
	s22 =	sor.u32 $0x300, s1;
	[tilespmem:s26+$0x4210] =	vst v6;
	v3 =	vld.idx.msk [tilespmem:v3+s6+$0x0], $0xffff  }
0x114: {  	s17 =	sor.u32 $0x380, s16;
	s19 =	sor.u32 $0x300, s21;
	s1 =	sor.u32 $0x380, s1;
	v4 =	vadd.f32 v4, v9;
	v6 =	vld [tilespmem:s7+$0x80]  }
0x115: {  	s16 =	sor.u32 $0x380, s21;
	v5 =	vadd.f32 v5, v10;
	v7 =	vld [tilespmem:s7+$0x2080]  }
0x116: {  	v0 =	vadd.f32 v0, v1;
	[tilespmem:s26+$0x4220] =	vst v4;
	v1 =	vld [tilespmem:s12+$0x2080]  }
0x117: {  	v4 =	vld [tilespmem:s2+$0x80];
	[tilespmem:s26+$0x4230] =	vst v5  }
0x118: {  	v5 =	vld [tilespmem:s5+$0x80];
	[tilespmem:s11+$0x4080] =	vst v0;
	s11 =	smov.u32 s22  }
0x119: {  	v0 =	vld.idx.msk [tilespmem:v8+s6+$0x0], $0xffff  }
0x11a: {  	v8 =	vld [tilespmem:s10+$0x2080]  }
0x11b: {  	v9 =	vld [tilespmem:s2+$0x2080];
	v1 =	vadd.f32 v1, v2  }
0x11c: {  	v2 =	vld.idx.msk [tilespmem:v6+s6+$0x0], $0xffff  }
0x11d: {  	v6 =	vld [tilespmem:s5+$0x2080];
	[tilespmem:s12+$0x4080] =	vst v1;
	s12 =	smov.u32 s18  }
0x11e: {  	v1 =	vld [tilespmem:s13+$0x2080]  }
0x11f: {  	v0 =	vadd.f32 v8, v0;
	v4 =	vld.idx.msk [tilespmem:v4+s6+$0x0], $0xffff  }
0x120: {  	v5 =	vld.idx.msk [tilespmem:v5+s6+$0x0], $0xffff  }
0x121: {  	[tilespmem:s10+$0x4080] =	vst v0;
	s10 =	sor.u32 $0x280, s15;
	v0 =	vld [tilespmem:s9+$0x80]  }
0x122: {  	v2 =	vadd.f32 v7, v2;
	v8 =	vld [tilespmem:s10+$0x80]  }
0x123: {  	v7 =	vld [tilespmem:s4+$0x80];
	v1 =	vadd.f32 v1, v3  }
0x124: {  	[tilespmem:s7+$0x4080] =	vst v2;
	v2 =	vld [tilespmem:s9+$0x2080]  }
0x125: {  	v4 =	vadd.f32 v9, v4;
	v3 =	vld [tilespmem:s20+$0x80];
	[tilespmem:s13+$0x4080] =	vst v1;
	s13 =	smov.u32 s19  }
0x126: {  	v5 =	vadd.f32 v6, v5;
	v1 =	vld [tilespmem:s20+$0x2080]  }
0x127: {  	[tilespmem:s2+$0x4080] =	vst v4;
	v4 =	vld [tilespmem:s8+$0x80]  }
0x128: {  	v6 =	vld [tilespmem:s23+$0x80];
	[tilespmem:s5+$0x4080] =	vst v5  }
0x129: {  	v5 =	vld [tilespmem:s14+$0x80]  }
0x12a: {  	v8 =	vld.idx.msk [tilespmem:v8+s6+$0x0], $0xffff  }
0x12b: {  	v9 =	vld [tilespmem:s10+$0x2080]  }
0x12c: {  	v10 =	vld [tilespmem:s23+$0x2080]  }
0x12d: {  	v3 =	vld.idx.msk [tilespmem:v3+s6+$0x0], $0xffff  }
0x12e: {  	v11 =	vld [tilespmem:s14+$0x2080]  }
0x12f: {  	v0 =	vld.idx.msk [tilespmem:v0+s6+$0x0], $0xffff  }
0x130: {  	v8 =	vadd.f32 v9, v8;
	v9 =	vld.idx.msk [tilespmem:v6+s6+$0x0], $0xffff  }
0x131: {  	v12 =	vld.idx.msk [tilespmem:v5+s6+$0x0], $0xffff  }
0x132: {  	s15 =	sor.u32 $0x300, s15;
	[tilespmem:s10+$0x4080] =	vst v8;
	v5 =	vld.idx.msk [tilespmem:v7+s6+$0x0], $0xffff  }
0x133: {  	v1 =	vadd.f32 v1, v3;
	v8 =	vld [tilespmem:s15+$0x80]  }
0x134: {  	v4 =	vld.idx.msk [tilespmem:v4+s6+$0x0], $0xffff  }
.Ltmp0:
0x135: {  	v2 =	vadd.f32 v2, v0;
	[tilespmem:s20+$0x4080] =	vst v1;
	v6 =	vld [tilespmem:s4+$0x2080];
	(pc) =	sbr.rel @p2 .LBB2_3-.Ltmp0, $4  }
0x136: {  	v3 =	vadd.f32 v10, v9;
	v1 =	vld [tilespmem:s11+$0x80]  }
0x137: {  	v9 =	vadd.f32 v11, v12;
	v0 =	vld [tilespmem:s11+$0x2080];
	[tilespmem:s9+$0x4080] =	vst v2;
	s9 =	smov.u32 s1  }
0x138: {  	[tilespmem:s23+$0x4080] =	vst v3;
	v7 =	vld [tilespmem:s8+$0x2080]  }
0x139: {  	v2 =	vld [tilespmem:s12+$0x80];
	[tilespmem:s14+$0x4080] =	vst v9  }
0x13a: {  	_ =	sdelay $0x2  }
0x13b: {  	v3 =	vld [tilespmem:s13+$0x80]  }
0x13c: {  	v8 =	vld.idx.msk [tilespmem:v8+s6+$0x0], $0xffff  }
0x13d: {  	v9 =	vld [tilespmem:s15+$0x2080];
	_ =	sdelay $0x1  }
0x13e: {  	v10 =	vld [tilespmem:s12+$0x2080]  }
0x13f: {  	v1 =	vld.idx.msk [tilespmem:v1+s6+$0x0], $0xffff  }
0x140: {  	v2 =	vld.idx.msk [tilespmem:v2+s6+$0x0], $0xffff  }
0x141: {  	v8 =	vadd.f32 v9, v8;
	v9 =	vld [tilespmem:s13+$0x2080]  }
0x142: {  	v3 =	vld.idx.msk [tilespmem:v3+s6+$0x0], $0xffff  }
0x143: {  	s0 =	sor.u32 s24, s25  }
0x144: {  	s0 =	sor.u32 $0x380, s0;
	[tilespmem:s15+$0x4080] =	vst v8  }
0x145: {  	v0 =	vadd.f32 v0, v1;
	v8 =	vld [tilespmem:s0+$0x80]  }
0x146: {  	v1 =	vadd.f32 v10, v2  }
0x147: {  	[tilespmem:s11+$0x4080] =	vst v0;
	v0 =	vadd.f32 v9, v3  }
0x148: {  	[tilespmem:s12+$0x4080] =	vst v1;
	v1 =	vld [tilespmem:s9+$0x80]  }
0x149: {  	v2 =	vld [tilespmem:s17+$0x80];
	[tilespmem:s13+$0x4080] =	vst v0  }
0x14a: {  	v0 =	vld [tilespmem:s16+$0x80]  }
0x14b: {  	v10 =	vld [tilespmem:s17+$0x2080]  }
0x14c: {  	v9 =	vld [tilespmem:s9+$0x2080]  }
0x14d: {  	v3 =	vld.idx.msk [tilespmem:v8+s6+$0x0], $0xffff  }
0x14e: {  	v8 =	vld [tilespmem:s0+$0x2080]  }
0x14f: {  	v5 =	vadd.f32 v6, v5;
	v6 =	vld [tilespmem:s16+$0x2080]  }
0x150: {  	v1 =	vld.idx.msk [tilespmem:v1+s6+$0x0], $0xffff  }
0x151: {  	v2 =	vld.idx.msk [tilespmem:v2+s6+$0x0], $0xffff  }
0x152: {  	v0 =	vld.idx.msk [tilespmem:v0+s6+$0x0], $0xffff  }
0x153: {  	v4 =	vadd.f32 v7, v4  }
0x154: {  	[tilespmem:s4+$0x4080] =	vst v5;
	v3 =	vadd.f32 v8, v3  }
0x155: {  	[tilespmem:s8+$0x4080] =	vst v4;
	v1 =	vadd.f32 v9, v1  }
0x156: {  	[tilespmem:s0+$0x4080] =	vst v3;
	v2 =	vadd.f32 v10, v2  }
0x157: {  	[tilespmem:s9+$0x4080] =	vst v1;
	v0 =	vadd.f32 v6, v0  }
0x158: {  	s5 =	rddreg [dreg:$0x3];
	[tilespmem:s17+$0x4080] =	vst v2  }
0x159: {  	s1 =	simm.s32 $0x4080;
	s11 =	sadd.s32 s5, s31;
	[tilespmem:s16+$0x4080] =	vst v0  }
0x15a: {  	[hbm4b:s11+s6] =	stream.linear.scatter [tilespmem:s1], [sflag:$0x5], $0x1000, $0x38;
	[tilespmem:$0x6080] =	vst v63  }
0x15b: {  	s12 =	rddreg [dreg:$0x8]  }
0x15c: {  	s0 =	sadd.s32 s12, s30  }
0x15d: {  	s13 =	rddreg [dreg:$0x0];
	s0 =	sshrl.u32 s0, $0x3  }
0x15e: {  	s2 =	simm.s32 $0x80;
	s14 =	rddreg [dreg:$0x1];
	s1 =	sadd.s32 s13, s0  }
0x15f: {  	[tilespmem:s2], [sflag:$0x1] =	stream.linear.gather [hbm4b:s1+s6], $0x1000, $0x38;
	[tilespmem:$0x6080] =	vst v63  }
0x160: {  	s15 =	simm.s32 $0x2080;
	s16 =	simm.s32 $0x2;
	s0 =	sadd.s32 s14, s0  }
0x161: {  	[tilespmem:s15], [sflag:$0x3] =	stream.linear.gather [hbm4b:s0+s6], $0x1000, $0x38;
	[tilespmem:$0x6080] =	vst v63  }
0x162: {  	_ =	swait.ge [sflag:s16], $0x1000  }
0x163: {  	[sflag:s16] =	ssyncset.done $0x0  }
0x164: {  	s17 =	simm.s32 $0x4;
	[sflag:s16] =	ssyncadd.s32 $0xFFFFF000  }
0x165: {  	_ =	swait.ge [sflag:s17], $0x1000  }
0x166: {  	[sflag:s17] =	ssyncset.done $0x0  }
0x167: {  	s0 =	simm.s32 @!p0 $0x6;
	[sflag:s17] =	ssyncadd.s32 $0xFFFFF000  }
0x168: {  	s18 =	simm.s32 $0x0;
	s19 =	simm.s32 $0x0;
	_ =	swait.ge @!p0 [sflag:s0], $0x1000  }
0x169: {  	s23 =	sand.u32 $0x40, s19;
	s24 =	sand.u32 $0xC00, s18;
	[sflag:s0] =	ssyncset.done @!p0 $0x0  }
0x16a: {  	s25 =	sor.u32 s23, s24;
	[sflag:s0] =	ssyncadd.s32 @!p0 $0xFFFFF000  }
0x16b: {  	v0 =	vld [tilespmem:s25+$0x1080]  }
0x16c: {  	v1 =	vld [tilespmem:s25+$0x1090]  }
0x16d: {  	v2 =	vld [tilespmem:s25+$0x10A0]  }
0x16e: {  	v3 =	vld [tilespmem:s25+$0x10B0]  }
0x16f: {  	v4 =	vld [tilespmem:s25+$0x3080]  }
0x170: {  	v5 =	vld [tilespmem:s25+$0x1100]  }
0x171: {  	v6 =	vld [tilespmem:s25+$0x3090]  }
0x172: {  	v7 =	vld [tilespmem:s25+$0x30A0]  }
0x173: {  	v8 =	vld [tilespmem:s25+$0x3100]  }
0x174: {  	v0 =	vld.idx.msk [tilespmem:v0+s6+$0x0], $0xffff  }
0x175: {  	v9 =	vld [tilespmem:s25+$0x1110]  }
0x176: {  	v10 =	vld [tilespmem:s25+$0x1120]  }
0x177: {  	v11 =	vld [tilespmem:s25+$0x1130]  }
0x178: {  	v1 =	vld.idx.msk [tilespmem:v1+s6+$0x0], $0xffff  }
0x179: {  	v2 =	vld.idx.msk [tilespmem:v2+s6+$0x0], $0xffff;
	v0 =	vadd.f32 v4, v0  }
0x17a: {  	v3 =	vld.idx.msk [tilespmem:v3+s6+$0x0], $0xffff  }
0x17b: {  	v4 =	vld [tilespmem:s25+$0x30B0];
	[tilespmem:s25+$0x5080] =	vst v0  }
0x17c: {  	v0 =	vld.idx.msk [tilespmem:v5+s6+$0x0], $0xffff  }
0x17d: {  	v5 =	vld [tilespmem:s25+$0x1180]  }
0x17e: {  	v12 =	vld [tilespmem:s25+$0x3110];
	v1 =	vadd.f32 v6, v1  }
0x17f: {  	v13 =	vld [tilespmem:s25+$0x3130];
	v2 =	vadd.f32 v7, v2  }
0x180: {  	v6 =	vld [tilespmem:s25+$0x11A0];
	[tilespmem:s25+$0x5090] =	vst v1  }
0x181: {  	[tilespmem:s25+$0x50A0] =	vst v2;
	v2 =	vld.idx.msk [tilespmem:v9+s6+$0x0], $0xffff;
	v1 =	vadd.f32 v4, v3  }
0x182: {  	v3 =	vld [tilespmem:s25+$0x3180];
	v0 =	vadd.f32 v8, v0  }
0x183: {  	[tilespmem:s25+$0x50B0] =	vst v1;
	v1 =	vld.idx.msk [tilespmem:v10+s6+$0x0], $0xffff  }
0x184: {  	v8 =	vld [tilespmem:s25+$0x3120];
	[tilespmem:s25+$0x5100] =	vst v0  }
0x185: {  	v5 =	vld.idx.msk [tilespmem:v5+s6+$0x0], $0xffff  }
0x186: {  	v4 =	vld.idx.msk [tilespmem:v11+s6+$0x0], $0xffff  }
0x187: {  	v0 =	vld [tilespmem:s25+$0x1190]  }
0x188: {  	v2 =	vadd.f32 v12, v2  }
0x189: {  	v7 =	vld [tilespmem:s25+$0x3190];
	v1 =	vadd.f32 v8, v1  }
0x18a: {  	[tilespmem:s25+$0x5110] =	vst v2;
	v3 =	vadd.f32 v3, v5;
	v5 =	vld [tilespmem:s25+$0x11B0]  }
0x18b: {  	s26 =	sor.u32 s24, s19;
	v2 =	vld [tilespmem:s25+$0x31B0];
	[tilespmem:s25+$0x5120] =	vst v1  }
0x18c: {  	s1 =	sor.u32 $0x180, s26;
	v4 =	vadd.f32 v13, v4;
	v1 =	vld [tilespmem:s25+$0x1210];
	[tilespmem:s25+$0x5180] =	vst v3  }
0x18d: {  	v9 =	vld [tilespmem:s1+$0x1080]  }
0x18e: {  	[tilespmem:s25+$0x5130] =	vst v4;
	v4 =	vld.idx.msk [tilespmem:v6+s6+$0x0], $0xffff  }
0x18f: {  	v0 =	vld.idx.msk [tilespmem:v0+s6+$0x0], $0xffff  }
0x190: {  	v6 =	vld [tilespmem:s25+$0x1220]  }
0x191: {  	v3 =	vld [tilespmem:s25+$0x31A0]  }
0x192: {  	v5 =	vld.idx.msk [tilespmem:v5+s6+$0x0], $0xffff  }
0x193: {  	v8 =	vld [tilespmem:s25+$0x1230]  }
0x194: {  	v0 =	vadd.f32 v7, v0;
	v7 =	vld [tilespmem:s1+$0x3080]  }
0x195: {  	v9 =	vld.idx.msk [tilespmem:v9+s6+$0x0], $0xffff  }
0x196: {  	v3 =	vadd.f32 v3, v4;
	[tilespmem:s25+$0x5190] =	vst v0;
	v0 =	vld [tilespmem:s25+$0x3210]  }
0x197: {  	v1 =	vld.idx.msk [tilespmem:v1+s6+$0x0], $0xffff;
	v2 =	vadd.f32 v2, v5  }
0x198: {  	s2 =	simm.s32 $0x1;
	p0 =	por $0x0, $0x0;
	v4 =	vld [tilespmem:s25+$0x3220];
	[tilespmem:s25+$0x51A0] =	vst v3  }
0x199: {  	s2 =	simm.s32 @!p0 $0x0;
	[tilespmem:s25+$0x51B0] =	vst v2;
	v2 =	vld.idx.msk [tilespmem:v6+s6+$0x0], $0xffff  }
0x19a: {  	s2 =	sshll.u32 s2, $0x6;
	v3 =	vld [tilespmem:s25+$0x3230];
	v5 =	vadd.f32 v7, v9  }
0x19b: {  	s2 =	sadd.s32 $0x0, s2;
	v6 =	vld.idx.msk [tilespmem:v8+s6+$0x0], $0xffff  }
0x19c: {  	s30 =	sor.u32 $0x200, s2;
	v0 =	vadd.f32 v0, v1;
	[tilespmem:s1+$0x5080] =	vst v5  }
0x19d: {  	s4 =	sadd.s32 $0x10, s2;
	v5 =	vld [tilespmem:s30+$0x1080]  }
0x19e: {  	s3 =	sor.u32 $0x200, s4;
	[tilespmem:s25+$0x5210] =	vst v0;
	v1 =	vadd.f32 v4, v2  }
0x19f: {  	s13 =	sadd.s32 $0x20, s2;
	v2 =	vld [tilespmem:s3+$0x1080]  }
0x1a0: {  	s20 =	sor.u32 $0x200, s13;
	v0 =	vadd.f32 v3, v6;
	[tilespmem:s25+$0x5220] =	vst v1  }
0x1a1: {  	s8 =	sadd.s32 $0x30, s2;
	v1 =	vld [tilespmem:s20+$0x1080]  }
0x1a2: {  	s7 =	sor.u32 $0x200, s8;
	[tilespmem:s25+$0x5230] =	vst v0  }
0x1a3: {  	v0 =	vld [tilespmem:s7+$0x1080]  }
0x1a4: {  	v4 =	vld [tilespmem:s30+$0x3080]  }
0x1a5: {  	v3 =	vld.idx.msk [tilespmem:v5+s6+$0x0], $0xffff  }
0x1a6: {  	v5 =	vld [tilespmem:s3+$0x3080]  }
0x1a7: {  	v2 =	vld.idx.msk [tilespmem:v2+s6+$0x0], $0xffff  }
0x1a8: {  	v6 =	vld [tilespmem:s20+$0x3080]  }
0x1a9: {  	v1 =	vld.idx.msk [tilespmem:v1+s6+$0x0], $0xffff  }
0x1aa: {  	v7 =	vld [tilespmem:s7+$0x3080];
	v3 =	vadd.f32 v4, v3  }
0x1ab: {  	v0 =	vld.idx.msk [tilespmem:v0+s6+$0x0], $0xffff  }
0x1ac: {  	s21 =	sor.u32 $0x280, s2;
	v2 =	vadd.f32 v5, v2;
	[tilespmem:s30+$0x5080] =	vst v3  }
0x1ad: {  	v3 =	vld [tilespmem:s21+$0x1080]  }
0x1ae: {  	s22 =	sor.u32 $0x280, s4;
	[tilespmem:s3+$0x5080] =	vst v2;
	v4 =	vld [tilespmem:s21+$0x3080];
	v1 =	vadd.f32 v6, v1  }
0x1af: {  	v2 =	vld [tilespmem:s22+$0x1080]  }
0x1b0: {  	s23 =	sor.u32 $0x280, s13;
	v5 =	vld [tilespmem:s22+$0x3080];
	v0 =	vadd.f32 v7, v0;
	[tilespmem:s20+$0x5080] =	vst v1  }
0x1b1: {  	v1 =	vld [tilespmem:s23+$0x1080]  }
0x1b2: {  	s24 =	sor.u32 $0x280, s8;
	[tilespmem:s7+$0x5080] =	vst v0;
	v6 =	vld [tilespmem:s23+$0x3080]  }
0x1b3: {  	s0 =	simm.s32 $0x40;
	s3 =	simm.s32 $0x200;
	v0 =	vld [tilespmem:s24+$0x1080]  }
0x1b4: {  	s10 =	sand.u32 $0xC00, s3;
	s7 =	sand.u32 $0x40, s0;
	v7 =	vld [tilespmem:s24+$0x3080]  }
0x1b5: {  	s14 =	sor.u32 s7, s10;
	v3 =	vld.idx.msk [tilespmem:v3+s6+$0x0], $0xffff  }
0x1b6: {  	v8 =	vld [tilespmem:s14+$0x10A0]  }
0x1b7: {  	v9 =	vld [tilespmem:s14+$0x10B0]  }
0x1b8: {  	v10 =	vld [tilespmem:s14+$0x3090]  }
0x1b9: {  	v11 =	vld [tilespmem:s14+$0x30A0]  }
0x1ba: {  	v49 =	vld [tilespmem:s14+$0x1100];
	v3 =	vadd.f32 v4, v3  }
0x1bb: {  	v50 =	vld [tilespmem:s14+$0x30B0]  }
0x1bc: {  	s2 =	sor.u32 $0x300, s2;
	v14 =	vld [tilespmem:s14+$0x1180];
	[tilespmem:s21+$0x5080] =	vst v3  }
0x1bd: {  	v3 =	vld [tilespmem:s2+$0x1080]  }
0x1be: {  	v0 =	vld.idx.msk [tilespmem:v0+s6+$0x0], $0xffff  }
0x1bf: {  	v15 =	vld [tilespmem:s14+$0x1110]  }
0x1c0: {  	v16 =	vld [tilespmem:s14+$0x1120]  }
0x1c1: {  	v1 =	vld.idx.msk [tilespmem:v1+s6+$0x0], $0xffff  }
0x1c2: {  	v17 =	vld [tilespmem:s14+$0x1130]  }
0x1c3: {  	v18 =	vld [tilespmem:s14+$0x3110];
	v0 =	vadd.f32 v7, v0  }
0x1c4: {  	v51 =	vld [tilespmem:s14+$0x3120]  }
0x1c5: {  	[tilespmem:s24+$0x5080] =	vst v0;
	v0 =	vld.idx.msk [tilespmem:v3+s6+$0x0], $0xffff  }
0x1c6: {  	v1 =	vadd.f32 v6, v1;
	v3 =	vld [tilespmem:s14+$0x1080]  }
0x1c7: {  	v19 =	vld [tilespmem:s14+$0x3130]  }
0x1c8: {  	[tilespmem:s23+$0x5080] =	vst v1;
	v1 =	vld [tilespmem:s2+$0x3080]  }
0x1c9: {  	v2 =	vld.idx.msk [tilespmem:v2+s6+$0x0], $0xffff  }
0x1ca: {  	v52 =	vld [tilespmem:s14+$0x11A0]  }
0x1cb: {  	v7 =	vld [tilespmem:s14+$0x1090]  }
0x1cc: {  	v53 =	vld [tilespmem:s14+$0x3190]  }
0x1cd: {  	v0 =	vadd.f32 v1, v0;
	v1 =	vld [tilespmem:s14+$0x3080]  }
0x1ce: {  	v2 =	vadd.f32 v5, v2;
	v3 =	vld.idx.msk [tilespmem:v3+s6+$0x0], $0xffff  }
0x1cf: {  	v55 =	vld [tilespmem:s14+$0x1220]  }
0x1d0: {  	s25 =	sor.u32 $0x300, s4;
	v56 =	vld [tilespmem:s14+$0x1230];
	[tilespmem:s22+$0x5080] =	vst v2  }
0x1d1: {  	v2 =	vld [tilespmem:s25+$0x1080]  }
0x1d2: {  	v8 =	vld.idx.msk [tilespmem:v8+s6+$0x0], $0xffff  }
0x1d3: {  	v7 =	vld.idx.msk [tilespmem:v7+s6+$0x0], $0xffff;
	v1 =	vadd.f32 v1, v3  }
0x1d4: {  	v9 =	vld.idx.msk [tilespmem:v9+s6+$0x0], $0xffff  }
0x1d5: {  	v3 =	vld [tilespmem:s14+$0x3100];
	[tilespmem:s14+$0x5080] =	vst v1  }
0x1d6: {  	v12 =	vld.idx.msk [tilespmem:v49+s6+$0x0], $0xffff  }
0x1d7: {  	s26 =	sor.u32 $0x300, s13;
	v4 =	vld [tilespmem:s25+$0x3080]  }
0x1d8: {  	v5 =	vld [tilespmem:s26+$0x1080];
	v7 =	vadd.f32 v10, v7  }
0x1d9: {  	v8 =	vadd.f32 v11, v8;
	v2 =	vld.idx.msk [tilespmem:v2+s6+$0x0], $0xffff  }
0x1da: {  	[tilespmem:s14+$0x5090] =	vst v7;
	v7 =	vadd.f32 v50, v9;
	v9 =	vld [tilespmem:s14+$0x3180]  }
0x1db: {  	[tilespmem:s14+$0x50A0] =	vst v8;
	v8 =	vld.idx.msk [tilespmem:v15+s6+$0x0], $0xffff;
	v3 =	vadd.f32 v3, v12  }
0x1dc: {  	[tilespmem:s14+$0x50B0] =	vst v7;
	v7 =	vld.idx.msk [tilespmem:v16+s6+$0x0], $0xffff  }
0x1dd: {  	[tilespmem:s14+$0x5100] =	vst v3;
	v3 =	vld [tilespmem:s14+$0x1190]  }
0x1de: {  	s30 =	sor.u32 $0x300, s8;
	v10 =	vld.idx.msk [tilespmem:v14+s6+$0x0], $0xffff  }
0x1df: {  	v6 =	vld [tilespmem:s30+$0x1080]  }
0x1e0: {  	v5 =	vld.idx.msk [tilespmem:v5+s6+$0x0], $0xffff  }
0x1e1: {  	v11 =	vld.idx.msk [tilespmem:v17+s6+$0x0], $0xffff;
	v8 =	vadd.f32 v18, v8  }
0x1e2: {  	v2 =	vadd.f32 v4, v2;
	v4 =	vld [tilespmem:s30+$0x3080];
	v7 =	vadd.f32 v51, v7  }
0x1e3: {  	[tilespmem:s14+$0x5110] =	vst v8;
	v9 =	vadd.f32 v9, v10;
	v10 =	vld [tilespmem:s14+$0x11B0]  }
0x1e4: {  	s15 =	sor.u32 s10, s0;
	[tilespmem:s14+$0x5120] =	vst v7;
	v7 =	vld [tilespmem:s14+$0x1210]  }
0x1e5: {  	s1 =	sor.u32 $0x180, s15;
	[tilespmem:s14+$0x5180] =	vst v9;
	v3 =	vld.idx.msk [tilespmem:v3+s6+$0x0], $0xffff  }
0x1e6: {  	v11 =	vadd.f32 v19, v11;
	v54 =	vld [tilespmem:s1+$0x1080]  }
0x1e7: {  	v8 =	vld [tilespmem:s14+$0x31B0]  }
0x1e8: {  	[tilespmem:s14+$0x5130] =	vst v11;
	v11 =	vld.idx.msk [tilespmem:v52+s6+$0x0], $0xffff  }
0x1e9: {  	v9 =	vld [tilespmem:s14+$0x31A0]  }
0x1ea: {  	v57 =	vld [tilespmem:s1+$0x3080];
	v3 =	vadd.f32 v53, v3  }
0x1eb: {  	v10 =	vld.idx.msk [tilespmem:v10+s6+$0x0], $0xffff  }
0x1ec: {  	[tilespmem:s14+$0x5190] =	vst v3;
	v3 =	vld [tilespmem:s14+$0x3210]  }
0x1ed: {  	s12 =	sor.u32 s18, s19;
	v7 =	vld.idx.msk [tilespmem:v7+s6+$0x0], $0xffff  }
0x1ee: {  	s12 =	sor.u32 $0x380, s12;
	[tilespmem:s2+$0x5080] =	vst v0;
	v9 =	vadd.f32 v9, v11;
	v15 =	vld.idx.msk [tilespmem:v54+s6+$0x0], $0xffff  }
0x1ef: {  	p0 =	por !p0, !p0;
	s2 =	simm.s32 $0x1;
	v0 =	vld [tilespmem:s12+$0x1080]  }
0x1f0: {  	s2 =	simm.s32 @!p0 $0x0;
	[tilespmem:s14+$0x51A0] =	vst v9;
	v9 =	vld [tilespmem:s14+$0x3230];
	v8 =	vadd.f32 v8, v10  }
0x1f1: {  	s2 =	sshll.u32 s2, $0x6;
	v11 =	vld.idx.msk [tilespmem:v55+s6+$0x0], $0xffff  }
0x1f2: {  	s2 =	sadd.s32 $0x200, s2;
	v10 =	vld [tilespmem:s14+$0x3220];
	[tilespmem:s14+$0x51B0] =	vst v8;
	v3 =	vadd.f32 v3, v7  }
0x1f3: {  	s19 =	sadd.s32 $0x10, s2;
	v8 =	vadd.f32 v57, v15;
	v58 =	vld.idx.msk [tilespmem:v56+s6+$0x0], $0xffff  }
0x1f4: {  	s21 =	sor.u32 $0x200, s19;
	[tilespmem:s14+$0x5210] =	vst v3;
	v3 =	vld.idx.msk [tilespmem:v6+s6+$0x0], $0xffff  }
0x1f5: {  	s18 =	sor.u32 $0x200, s2;
	[tilespmem:s1+$0x5080] =	vst v8;
	v6 =	vld [tilespmem:s21+$0x1080]  }
0x1f6: {  	v8 =	vld [tilespmem:s18+$0x1080]  }
0x1f7: {  	v1 =	vld [tilespmem:s12+$0x3080]  }
0x1f8: {  	v7 =	vadd.f32 v10, v11;
	v10 =	vld [tilespmem:s21+$0x3080]  }
0x1f9: {  	s20 =	sadd.s32 $0x20, s2;
	v59 =	vld [tilespmem:s18+$0x3080];
	v9 =	vadd.f32 v9, v58  }
0x1fa: {  	s23 =	sadd.s32 $0x30, s2;
	s10 =	sor.u32 $0x200, s20;
	[tilespmem:s14+$0x5220] =	vst v7;
	v7 =	vld [tilespmem:s26+$0x3080]  }
0x1fb: {  	s22 =	sor.u32 $0x200, s23;
	[tilespmem:s14+$0x5230] =	vst v9;
	v9 =	vld [tilespmem:s10+$0x1080]  }
0x1fc: {  	v11 =	vld [tilespmem:s22+$0x1080]  }
0x1fd: {  	v6 =	vld.idx.msk [tilespmem:v6+s6+$0x0], $0xffff  }
0x1fe: {  	s9 =	sor.u32 $0x380, s4;
	[tilespmem:s25+$0x5080] =	vst v2;
	v8 =	vld.idx.msk [tilespmem:v8+s6+$0x0], $0xffff  }
0x1ff: {  	v2 =	vadd.f32 v7, v5;
	v7 =	vld [tilespmem:s9+$0x1080]  }
0x200: {  	v0 =	vld.idx.msk [tilespmem:v0+s6+$0x0], $0xffff  }
0x201: {  	v60 =	vld [tilespmem:s10+$0x3080]  }
0x202: {  	v61 =	vld [tilespmem:s22+$0x3080];
	v6 =	vadd.f32 v10, v6  }
0x203: {  	v9 =	vld.idx.msk [tilespmem:v9+s6+$0x0], $0xffff;
	v8 =	vadd.f32 v59, v8  }
0x204: {  	v5 =	vld.idx.msk [tilespmem:v11+s6+$0x0], $0xffff;
	[tilespmem:s21+$0x5080] =	vst v6  }
0x205: {  	s24 =	sor.u32 $0x280, s2;
	v6 =	vld [tilespmem:s9+$0x3080];
	[tilespmem:s18+$0x5080] =	vst v8  }
0x206: {  	[tilespmem:s26+$0x5080] =	vst v2;
	v2 =	vld [tilespmem:s24+$0x1080]  }
0x207: {  	s4 =	sor.u32 $0x380, s13;
	v3 =	vadd.f32 v4, v3;
	v7 =	vld.idx.msk [tilespmem:v7+s6+$0x0], $0xffff  }
0x208: {  	s25 =	sor.u32 $0x280, s19;
	v8 =	vld [tilespmem:s4+$0x1080];
	v9 =	vadd.f32 v60, v9  }
0x209: {  	[tilespmem:s30+$0x5080] =	vst v3;
	v4 =	vld [tilespmem:s25+$0x1080];
	v5 =	vadd.f32 v61, v5  }
0x20a: {  	s26 =	sor.u32 $0x280, s20;
	v3 =	vld [tilespmem:s25+$0x3080];
	[tilespmem:s10+$0x5080] =	vst v9  }
0x20b: {  	s30 =	sor.u32 $0x280, s23;
	[tilespmem:s22+$0x5080] =	vst v5;
	v5 =	vld [tilespmem:s26+$0x1080]  }
0x20c: {  	v10 =	vld [tilespmem:s30+$0x1080]  }
0x20d: {  	v11 =	vld [tilespmem:s24+$0x3080]  }
0x20e: {  	s8 =	sor.u32 $0x380, s8;
	v2 =	vld.idx.msk [tilespmem:v2+s6+$0x0], $0xffff  }
0x20f: {  	v9 =	vld [tilespmem:s8+$0x1080]  }
0x210: {  	v62 =	vld [tilespmem:s26+$0x3080]  }
0x211: {  	v4 =	vld.idx.msk [tilespmem:v4+s6+$0x0], $0xffff  }
0x212: {  	v63 =	vld [tilespmem:s30+$0x3080]  }
0x213: {  	v2 =	vadd.f32 v11, v2;
	v11 =	vld.idx.msk [tilespmem:v5+s6+$0x0], $0xffff  }
0x214: {  	v10 =	vld.idx.msk [tilespmem:v10+s6+$0x0], $0xffff  }
0x215: {  	s15 =	sor.u32 $0x300, s2;
	v5 =	vld.idx.msk [tilespmem:v8+s6+$0x0], $0xffff;
	[tilespmem:s24+$0x5080] =	vst v2  }
0x216: {  	v2 =	vadd.f32 v3, v4;
	v8 =	vld [tilespmem:s15+$0x1080]  }
0x217: {  	v0 =	vadd.f32 v1, v0;
	v4 =	vld.idx.msk [tilespmem:v9+s6+$0x0], $0xffff  }
0x218: {  	[tilespmem:s25+$0x5080] =	vst v2;
	v2 =	vadd.f32 v6, v7;
	v6 =	vld [tilespmem:s4+$0x3080]  }
0x219: {  	s11 =	sor.u32 $0x300, s19;
	[tilespmem:s12+$0x5080] =	vst v0;
	v7 =	vld [tilespmem:s8+$0x3080];
	v3 =	vadd.f32 v62, v11  }
0x21a: {  	s31 =	smov.u32 s5;
	s17 =	sor.u32 $0x380, s20;
	v1 =	vld [tilespmem:s11+$0x1080];
	v9 =	vadd.f32 v63, v10;
	[tilespmem:s9+$0x5080] =	vst v2  }
0x21b: {  	s13 =	sor.u32 $0x300, s23;
	s16 =	sor.u32 $0x380, s23;
	s12 =	sor.u32 $0x300, s20;
	v0 =	vld [tilespmem:s11+$0x3080];
	[tilespmem:s26+$0x5080] =	vst v3  }
0x21c: {  	s24 =	simm.s32 $0x200;
	s25 =	simm.s32 $0x40;
	s9 =	sor.u32 $0x380, s19;
	[tilespmem:s30+$0x5080] =	vst v9;
	v2 =	vld [tilespmem:s12+$0x1080]  }
.LBB2_5:
0x21d: {  	s0 =	sadd.s32 $0x40, s0;
	v3 =	vld [tilespmem:s13+$0x1080];
	s3 =	sadd.s32 $0x200, s3;
	v5 =	vadd.f32 v6, v5  }
0x21e: {  	s2 =	sand.u32 $0x40, s0;
	s1 =	sand.u32 $0xC00, s3;
	p1 =	slt.u32 s0, $0x1C0;
	v6 =	vld.idx.msk [tilespmem:v8+s6+$0x0], $0xffff  }
0x21f: {  	s26 =	sor.u32 s2, s1;
	v8 =	vld [tilespmem:s15+$0x3080];
	[tilespmem:s4+$0x5080] =	vst v5;
	s4 =	smov.u32 s17  }
0x220: {  	v5 =	vld [tilespmem:s26+$0x1080];
	v4 =	vadd.f32 v7, v4  }
0x221: {  	v7 =	vld [tilespmem:s26+$0x1090]  }
0x222: {  	v9 =	vld [tilespmem:s26+$0x10A0];
	[tilespmem:s8+$0x5080] =	vst v4;
	s8 =	smov.u32 s16  }
0x223: {  	v4 =	vld [tilespmem:s26+$0x10B0]  }
0x224: {  	v10 =	vld [tilespmem:s26+$0x3090];
	v6 =	vadd.f32 v8, v6  }
0x225: {  	s2 =	sor.u32 s24, s25;
	s25 =	smov.u32 s0;
	s24 =	smov.u32 s3;
	v8 =	vld [tilespmem:s26+$0x30A0]  }
0x226: {  	s2 =	sor.u32 $0x380, s2;
	v11 =	vld [tilespmem:s26+$0x3080];
	[tilespmem:s15+$0x5080] =	vst v6  }
0x227: {  	v6 =	vld [tilespmem:s2+$0x1080]  }
0x228: {  	v5 =	vld.idx.msk [tilespmem:v5+s6+$0x0], $0xffff  }
0x229: {  	v12 =	vld [tilespmem:s26+$0x1100]  }
0x22a: {  	v7 =	vld.idx.msk [tilespmem:v7+s6+$0x0], $0xffff  }
0x22b: {  	v9 =	vld.idx.msk [tilespmem:v9+s6+$0x0], $0xffff  }
0x22c: {  	v4 =	vld.idx.msk [tilespmem:v4+s6+$0x0], $0xffff  }
0x22d: {  	v13 =	vld [tilespmem:s26+$0x30B0]  }
0x22e: {  	v5 =	vadd.f32 v11, v5;
	v11 =	vld [tilespmem:s26+$0x3100]  }
0x22f: {  	v6 =	vld.idx.msk [tilespmem:v6+s6+$0x0], $0xffff  }
0x230: {  	[tilespmem:s26+$0x5080] =	vst v5;
	v5 =	vadd.f32 v10, v7;
	v7 =	vld [tilespmem:s2+$0x3080]  }
0x231: {  	v8 =	vadd.f32 v8, v9;
	v10 =	vld.idx.msk [tilespmem:v12+s6+$0x0], $0xffff  }
0x232: {  	v9 =	vld [tilespmem:s26+$0x1180];
	[tilespmem:s26+$0x5090] =	vst v5;
	v4 =	vadd.f32 v13, v4  }
0x233: {  	v5 =	vld [tilespmem:s26+$0x1110];
	[tilespmem:s26+$0x50A0] =	vst v8  }
0x234: {  	v8 =	vld [tilespmem:s26+$0x1120];
	[tilespmem:s26+$0x50B0] =	vst v4  }
0x235: {  	v4 =	vld [tilespmem:s26+$0x1130];
	v6 =	vadd.f32 v7, v6  }
0x236: {  	v7 =	vld [tilespmem:s26+$0x3110]  }
0x237: {  	v10 =	vadd.f32 v11, v10;
	v11 =	vld [tilespmem:s26+$0x3120];
	[tilespmem:s2+$0x5080] =	vst v6  }
0x238: {  	v6 =	vld [tilespmem:s26+$0x3130]  }
0x239: {  	[tilespmem:s26+$0x5100] =	vst v10;
	v10 =	vld [tilespmem:s26+$0x1190]  }
0x23a: {  	v9 =	vld.idx.msk [tilespmem:v9+s6+$0x0], $0xffff  }
0x23b: {  	v12 =	vld [tilespmem:s26+$0x3180]  }
0x23c: {  	v5 =	vld.idx.msk [tilespmem:v5+s6+$0x0], $0xffff  }
0x23d: {  	v8 =	vld.idx.msk [tilespmem:v8+s6+$0x0], $0xffff  }
0x23e: {  	v4 =	vld.idx.msk [tilespmem:v4+s6+$0x0], $0xffff  }
0x23f: {  	v13 =	vld [tilespmem:s26+$0x11A0]  }
0x240: {  	v9 =	vadd.f32 v12, v9;
	v12 =	vld [tilespmem:s26+$0x11B0]  }
0x241: {  	s1 =	sor.u32 s1, s25;
	v14 =	vld [tilespmem:s26+$0x3190]  }
0x242: {  	s1 =	sor.u32 $0x180, s1;
	v5 =	vadd.f32 v7, v5;
	[tilespmem:s26+$0x5180] =	vst v9;
	v7 =	vld [tilespmem:s26+$0x31A0]  }
0x243: {  	v8 =	vadd.f32 v11, v8;
	v9 =	vld [tilespmem:s1+$0x1080]  }
0x244: {  	v4 =	vadd.f32 v6, v4;
	[tilespmem:s26+$0x5110] =	vst v5;
	v5 =	vld [tilespmem:s26+$0x31B0]  }
0x245: {  	v6 =	vld.idx.msk [tilespmem:v10+s6+$0x0], $0xffff;
	[tilespmem:s26+$0x5120] =	vst v8  }
0x246: {  	v8 =	vld [tilespmem:s26+$0x1210];
	[tilespmem:s26+$0x5130] =	vst v4  }
0x247: {  	v4 =	vld.idx.msk [tilespmem:v13+s6+$0x0], $0xffff  }
0x248: {  	v10 =	vld.idx.msk [tilespmem:v12+s6+$0x0], $0xffff  }
0x249: {  	v11 =	vld [tilespmem:s26+$0x1220]  }
0x24a: {  	v12 =	vld [tilespmem:s26+$0x1230]  }
0x24b: {  	v6 =	vadd.f32 v14, v6;
	v9 =	vld.idx.msk [tilespmem:v9+s6+$0x0], $0xffff  }
0x24c: {  	v13 =	vld [tilespmem:s1+$0x3080]  }
0x24d: {  	v4 =	vadd.f32 v7, v4;
	[tilespmem:s26+$0x5190] =	vst v6;
	v6 =	vld [tilespmem:s26+$0x3210]  }
0x24e: {  	v5 =	vadd.f32 v5, v10;
	v7 =	vld.idx.msk [tilespmem:v8+s6+$0x0], $0xffff  }
0x24f: {  	p0 =	por !p0, !p0;
	s2 =	simm.s32 $0x1;
	[tilespmem:s26+$0x51A0] =	vst v4;
	v4 =	vld [tilespmem:s26+$0x3220]  }
0x250: {  	s2 =	simm.s32 @!p0 $0x0;
	[tilespmem:s26+$0x51B0] =	vst v5;
	v5 =	vld [tilespmem:s26+$0x3230]  }
0x251: {  	s2 =	sshll.u32 s2, $0x6;
	v8 =	vadd.f32 v13, v9;
	v9 =	vld.idx.msk [tilespmem:v11+s6+$0x0], $0xffff  }
0x252: {  	s15 =	sadd.s32 s2, s3;
	v10 =	vld.idx.msk [tilespmem:v12+s6+$0x0], $0xffff  }
0x253: {  	s10 =	sor.u32 $0x200, s15;
	s16 =	sadd.s32 $0x20, s15;
	[tilespmem:s1+$0x5080] =	vst v8;
	s1 =	sadd.s32 $0x10, s15;
	v1 =	vld.idx.msk [tilespmem:v1+s6+$0x0], $0xffff  }
0x254: {  	s18 =	sadd.s32 $0x30, s15;
	s2 =	sor.u32 $0x200, s16;
	v6 =	vadd.f32 v6, v7;
	v8 =	vld [tilespmem:s10+$0x1080];
	s7 =	sor.u32 $0x200, s1  }
0x255: {  	s23 =	sor.u32 $0x280, s16;
	s5 =	sor.u32 $0x200, s18;
	s20 =	sor.u32 $0x280, s1;
	v2 =	vld.idx.msk [tilespmem:v2+s6+$0x0], $0xffff  }
0x256: {  	s21 =	sor.u32 $0x300, s16;
	s14 =	sor.u32 $0x280, s18;
	s19 =	sor.u32 $0x300, s1;
	[tilespmem:s26+$0x5210] =	vst v6;
	v3 =	vld.idx.msk [tilespmem:v3+s6+$0x0], $0xffff  }
0x257: {  	s17 =	sor.u32 $0x380, s16;
	s22 =	sor.u32 $0x300, s18;
	s1 =	sor.u32 $0x380, s1;
	v4 =	vadd.f32 v4, v9;
	v6 =	vld [tilespmem:s7+$0x1080]  }
0x258: {  	s16 =	sor.u32 $0x380, s18;
	v5 =	vadd.f32 v5, v10;
	v7 =	vld [tilespmem:s7+$0x3080]  }
0x259: {  	v0 =	vadd.f32 v0, v1;
	[tilespmem:s26+$0x5220] =	vst v4;
	v1 =	vld [tilespmem:s12+$0x3080]  }
0x25a: {  	v4 =	vld [tilespmem:s2+$0x1080];
	[tilespmem:s26+$0x5230] =	vst v5  }
0x25b: {  	v5 =	vld [tilespmem:s5+$0x1080];
	[tilespmem:s11+$0x5080] =	vst v0;
	s11 =	smov.u32 s19  }
0x25c: {  	v0 =	vld.idx.msk [tilespmem:v8+s6+$0x0], $0xffff  }
0x25d: {  	v8 =	vld [tilespmem:s10+$0x3080]  }
0x25e: {  	v9 =	vld [tilespmem:s2+$0x3080];
	v1 =	vadd.f32 v1, v2  }
0x25f: {  	v2 =	vld.idx.msk [tilespmem:v6+s6+$0x0], $0xffff  }
0x260: {  	v6 =	vld [tilespmem:s5+$0x3080];
	[tilespmem:s12+$0x5080] =	vst v1;
	s12 =	smov.u32 s21  }
0x261: {  	v1 =	vld [tilespmem:s13+$0x3080]  }
0x262: {  	v0 =	vadd.f32 v8, v0;
	v4 =	vld.idx.msk [tilespmem:v4+s6+$0x0], $0xffff  }
0x263: {  	v5 =	vld.idx.msk [tilespmem:v5+s6+$0x0], $0xffff  }
0x264: {  	[tilespmem:s10+$0x5080] =	vst v0;
	s10 =	sor.u32 $0x280, s15;
	v0 =	vld [tilespmem:s9+$0x1080]  }
0x265: {  	v2 =	vadd.f32 v7, v2;
	v8 =	vld [tilespmem:s10+$0x1080]  }
0x266: {  	v7 =	vld [tilespmem:s4+$0x1080];
	v1 =	vadd.f32 v1, v3  }
0x267: {  	[tilespmem:s7+$0x5080] =	vst v2;
	v2 =	vld [tilespmem:s9+$0x3080]  }
0x268: {  	v4 =	vadd.f32 v9, v4;
	v3 =	vld [tilespmem:s20+$0x1080];
	[tilespmem:s13+$0x5080] =	vst v1;
	s13 =	smov.u32 s22  }
0x269: {  	v5 =	vadd.f32 v6, v5;
	v1 =	vld [tilespmem:s20+$0x3080]  }
0x26a: {  	[tilespmem:s2+$0x5080] =	vst v4;
	v4 =	vld [tilespmem:s8+$0x1080]  }
0x26b: {  	v6 =	vld [tilespmem:s23+$0x1080];
	[tilespmem:s5+$0x5080] =	vst v5  }
0x26c: {  	v5 =	vld [tilespmem:s14+$0x1080]  }
0x26d: {  	v8 =	vld.idx.msk [tilespmem:v8+s6+$0x0], $0xffff  }
0x26e: {  	v9 =	vld [tilespmem:s10+$0x3080]  }
0x26f: {  	v10 =	vld [tilespmem:s23+$0x3080]  }
0x270: {  	v3 =	vld.idx.msk [tilespmem:v3+s6+$0x0], $0xffff  }
0x271: {  	v11 =	vld [tilespmem:s14+$0x3080]  }
0x272: {  	v0 =	vld.idx.msk [tilespmem:v0+s6+$0x0], $0xffff  }
0x273: {  	v8 =	vadd.f32 v9, v8;
	v9 =	vld.idx.msk [tilespmem:v6+s6+$0x0], $0xffff  }
0x274: {  	v12 =	vld.idx.msk [tilespmem:v5+s6+$0x0], $0xffff  }
0x275: {  	s15 =	sor.u32 $0x300, s15;
	[tilespmem:s10+$0x5080] =	vst v8;
	v5 =	vld.idx.msk [tilespmem:v7+s6+$0x0], $0xffff  }
0x276: {  	v1 =	vadd.f32 v1, v3;
	v8 =	vld [tilespmem:s15+$0x1080]  }
0x277: {  	v4 =	vld.idx.msk [tilespmem:v4+s6+$0x0], $0xffff  }
.Ltmp1:
0x278: {  	v2 =	vadd.f32 v2, v0;
	[tilespmem:s20+$0x5080] =	vst v1;
	v6 =	vld [tilespmem:s4+$0x3080];
	(pc) =	sbr.rel @p1 .LBB2_5-.Ltmp1, $4  }
0x279: {  	v3 =	vadd.f32 v10, v9;
	v1 =	vld [tilespmem:s11+$0x1080]  }
0x27a: {  	v9 =	vadd.f32 v11, v12;
	v0 =	vld [tilespmem:s11+$0x3080];
	[tilespmem:s9+$0x5080] =	vst v2;
	s9 =	smov.u32 s1  }
0x27b: {  	[tilespmem:s23+$0x5080] =	vst v3;
	v7 =	vld [tilespmem:s8+$0x3080]  }
0x27c: {  	v2 =	vld [tilespmem:s12+$0x1080];
	[tilespmem:s14+$0x5080] =	vst v9  }
0x27d: {  	_ =	sdelay $0x1  }
0x27e: {  	v3 =	vld [tilespmem:s13+$0x1080];
	_ =	sdelay $0x1  }
0x27f: {  	v8 =	vld.idx.msk [tilespmem:v8+s6+$0x0], $0xffff  }
0x280: {  	v9 =	vld [tilespmem:s15+$0x3080]  }
0x281: {  	v10 =	vld [tilespmem:s12+$0x3080]  }
0x282: {  	v54 =	vld [tilespmem:s13+$0x3080]  }
0x283: {  	v1 =	vld.idx.msk [tilespmem:v1+s6+$0x0], $0xffff  }
0x284: {  	v2 =	vld.idx.msk [tilespmem:v2+s6+$0x0], $0xffff  }
0x285: {  	v3 =	vld.idx.msk [tilespmem:v3+s6+$0x0], $0xffff  }
0x286: {  	v8 =	vadd.f32 v9, v8  }
0x287: {  	s0 =	sor.u32 s24, s25  }
0x288: {  	s0 =	sor.u32 $0x380, s0;
	v0 =	vadd.f32 v0, v1;
	[tilespmem:s15+$0x5080] =	vst v8  }
0x289: {  	v8 =	vld [tilespmem:s0+$0x1080];
	v55 =	vadd.f32 v10, v2  }
0x28a: {  	[tilespmem:s11+$0x5080] =	vst v0;
	v56 =	vadd.f32 v54, v3  }
0x28b: {  	v57 =	vld [tilespmem:s9+$0x1080];
	[tilespmem:s12+$0x5080] =	vst v55  }
0x28c: {  	v58 =	vld [tilespmem:s17+$0x1080];
	[tilespmem:s13+$0x5080] =	vst v56  }
0x28d: {  	v0 =	vld [tilespmem:s16+$0x1080]  }
0x28e: {  	v60 =	vld [tilespmem:s0+$0x3080]  }
0x28f: {  	v61 =	vld [tilespmem:s9+$0x3080]  }
0x290: {  	v62 =	vld [tilespmem:s17+$0x3080]  }
0x291: {  	v59 =	vld.idx.msk [tilespmem:v8+s6+$0x0], $0xffff  }
0x292: {  	v63 =	vld [tilespmem:s16+$0x3080]  }
0x293: {  	v1 =	vld.idx.msk [tilespmem:v57+s6+$0x0], $0xffff  }
0x294: {  	v2 =	vld.idx.msk [tilespmem:v58+s6+$0x0], $0xffff  }
0x295: {  	v5 =	vadd.f32 v6, v5;
	v0 =	vld.idx.msk [tilespmem:v0+s6+$0x0], $0xffff  }
0x296: {  	v4 =	vadd.f32 v7, v4  }
0x297: {  	s28 =	sadd.s32 $0x1, s28;
	[tilespmem:s4+$0x5080] =	vst v5;
	v3 =	vadd.f32 v60, v59  }
0x298: {  	p0 =	sne.s32 s28, $0xC;
	[tilespmem:s8+$0x5080] =	vst v4;
	v1 =	vadd.f32 v61, v1  }
.Ltmp2:
0x299: {  	[tilespmem:s0+$0x5080] =	vst v3;
	v2 =	vadd.f32 v62, v2;
	(pc) =	sbr.rel @p0 .LBB2_2-.Ltmp2, $4  }
0x29a: {  	[tilespmem:s9+$0x5080] =	vst v1;
	v0 =	vadd.f32 v63, v0  }
0x29b: {  	[tilespmem:s17+$0x5080] =	vst v2  }
0x29c: {  	s31 =	sadd.s32 s31, s29;
	s1 =	simm.s32 $0x5080;
	[tilespmem:s16+$0x5080] =	vst v0  }
0x29d: {  	[hbm4b:s31+s6] =	stream.linear.scatter [tilespmem:s1], [sflag:$0x6], $0x1000, $0x38;
	[tilespmem:$0x6080] =	vst v63  }
0x29e: {  	s0 =	simm.s32 $0x1  }
0x29f: {  	_ =	swait.ge [sflag:s0], $0x1000  }
0x2a0: {  	[sflag:s0] =	ssyncset.done $0x0  }
0x2a1: {  	s29 =	simm.s32 $0x3;
	[sflag:s0] =	ssyncadd.s32 $0xFFFFF000  }
0x2a2: {  	_ =	swait.ge [sflag:s29], $0x1000  }
0x2a3: {  	[sflag:s29] =	ssyncset.done $0x0  }
0x2a4: {  	s28 =	simm.s32 $0x5;
	[sflag:s29] =	ssyncadd.s32 $0xFFFFF000  }
0x2a5: {  	s11 =	simm.s32 $0x0;
	s12 =	simm.s32 $0x0;
	_ =	swait.ge [sflag:s28], $0x1000  }
0x2a6: {  	s30 =	sand.u32 $0x40, s12;
	s1 =	sand.u32 $0xC00, s11;
	[sflag:s28] =	ssyncset.done $0x0  }
0x2a7: {  	s0 =	sor.u32 s30, s1;
	[sflag:s28] =	ssyncadd.s32 $0xFFFFF000  }
0x2a8: {  	v0 =	vld [tilespmem:s0+$0x80]  }
0x2a9: {  	v1 =	vld [tilespmem:s0+$0x90]  }
0x2aa: {  	v2 =	vld [tilespmem:s0+$0xA0]  }
0x2ab: {  	v3 =	vld [tilespmem:s0+$0xB0]  }
0x2ac: {  	v4 =	vld [tilespmem:s0+$0x2080]  }
0x2ad: {  	v5 =	vld [tilespmem:s0+$0x100]  }
0x2ae: {  	v6 =	vld [tilespmem:s0+$0x2090]  }
0x2af: {  	v7 =	vld [tilespmem:s0+$0x20A0]  }
0x2b0: {  	v0 =	vld.idx.msk [tilespmem:v0+s6+$0x0], $0xffff  }
0x2b1: {  	v8 =	vld [tilespmem:s0+$0x2100]  }
0x2b2: {  	v9 =	vld [tilespmem:s0+$0x110]  }
0x2b3: {  	v10 =	vld [tilespmem:s0+$0x120]  }
0x2b4: {  	v1 =	vld.idx.msk [tilespmem:v1+s6+$0x0], $0xffff  }
0x2b5: {  	v2 =	vld.idx.msk [tilespmem:v2+s6+$0x0], $0xffff;
	v0 =	vadd.f32 v4, v0  }
0x2b6: {  	v3 =	vld.idx.msk [tilespmem:v3+s6+$0x0], $0xffff  }
0x2b7: {  	v4 =	vld [tilespmem:s0+$0x20B0];
	[tilespmem:s0+$0x4080] =	vst v0  }
0x2b8: {  	v0 =	vld.idx.msk [tilespmem:v5+s6+$0x0], $0xffff  }
0x2b9: {  	v5 =	vld [tilespmem:s0+$0x180]  }
0x2ba: {  	v11 =	vld [tilespmem:s0+$0x130]  }
0x2bb: {  	v12 =	vld [tilespmem:s0+$0x2110];
	v1 =	vadd.f32 v6, v1  }
0x2bc: {  	v13 =	vld [tilespmem:s0+$0x2130];
	v2 =	vadd.f32 v7, v2  }
0x2bd: {  	v6 =	vld [tilespmem:s0+$0x1A0];
	[tilespmem:s0+$0x4090] =	vst v1;
	v1 =	vadd.f32 v4, v3  }
0x2be: {  	[tilespmem:s0+$0x40A0] =	vst v2;
	v2 =	vld.idx.msk [tilespmem:v9+s6+$0x0], $0xffff;
	v0 =	vadd.f32 v8, v0  }
0x2bf: {  	v3 =	vld [tilespmem:s0+$0x2180];
	[tilespmem:s0+$0x40B0] =	vst v1  }
0x2c0: {  	v1 =	vld.idx.msk [tilespmem:v10+s6+$0x0], $0xffff;
	[tilespmem:s0+$0x4100] =	vst v0  }
0x2c1: {  	v5 =	vld.idx.msk [tilespmem:v5+s6+$0x0], $0xffff  }
0x2c2: {  	v8 =	vld [tilespmem:s0+$0x2120]  }
0x2c3: {  	v0 =	vld [tilespmem:s0+$0x190]  }
0x2c4: {  	v7 =	vld [tilespmem:s0+$0x2190];
	v2 =	vadd.f32 v12, v2  }
0x2c5: {  	v4 =	vld.idx.msk [tilespmem:v11+s6+$0x0], $0xffff  }
0x2c6: {  	[tilespmem:s0+$0x4110] =	vst v2;
	v2 =	vld [tilespmem:s0+$0x21B0];
	v3 =	vadd.f32 v3, v5  }
0x2c7: {  	s1 =	sor.u32 s1, s12;
	v5 =	vld [tilespmem:s0+$0x1B0]  }
0x2c8: {  	s1 =	sor.u32 $0x180, s1;
	v1 =	vadd.f32 v8, v1;
	v8 =	vld [tilespmem:s0+$0x230];
	[tilespmem:s0+$0x4180] =	vst v3  }
0x2c9: {  	v9 =	vld [tilespmem:s1+$0x80]  }
0x2ca: {  	v4 =	vadd.f32 v13, v4;
	[tilespmem:s0+$0x4120] =	vst v1;
	v1 =	vld [tilespmem:s0+$0x210]  }
0x2cb: {  	v0 =	vld.idx.msk [tilespmem:v0+s6+$0x0], $0xffff  }
0x2cc: {  	[tilespmem:s0+$0x4130] =	vst v4;
	v4 =	vld.idx.msk [tilespmem:v6+s6+$0x0], $0xffff  }
0x2cd: {  	v6 =	vld [tilespmem:s0+$0x220]  }
0x2ce: {  	v3 =	vld [tilespmem:s0+$0x21A0]  }
0x2cf: {  	v5 =	vld.idx.msk [tilespmem:v5+s6+$0x0], $0xffff  }
0x2d0: {  	v0 =	vadd.f32 v7, v0;
	v7 =	vld [tilespmem:s1+$0x2080]  }
0x2d1: {  	v9 =	vld.idx.msk [tilespmem:v9+s6+$0x0], $0xffff  }
0x2d2: {  	[tilespmem:s0+$0x4190] =	vst v0;
	v0 =	vld [tilespmem:s0+$0x2210]  }
0x2d3: {  	v3 =	vadd.f32 v3, v4;
	v1 =	vld.idx.msk [tilespmem:v1+s6+$0x0], $0xffff  }
0x2d4: {  	p0 =	por $0x0, $0x0;
	s2 =	simm.s32 $0x1;
	v4 =	vld [tilespmem:s0+$0x2220];
	v2 =	vadd.f32 v2, v5  }
0x2d5: {  	s2 =	simm.s32 @!p0 $0x0;
	[tilespmem:s0+$0x41A0] =	vst v3;
	v3 =	vld [tilespmem:s0+$0x2230]  }
0x2d6: {  	s2 =	sshll.u32 s2, $0x6;
	[tilespmem:s0+$0x41B0] =	vst v2;
	v2 =	vld.idx.msk [tilespmem:v6+s6+$0x0], $0xffff;
	v5 =	vadd.f32 v7, v9  }
0x2d7: {  	s2 =	sadd.s32 $0x0, s2;
	v6 =	vld.idx.msk [tilespmem:v8+s6+$0x0], $0xffff  }
0x2d8: {  	s31 =	sor.u32 $0x200, s2;
	v0 =	vadd.f32 v0, v1;
	[tilespmem:s1+$0x4080] =	vst v5  }
0x2d9: {  	s9 =	sadd.s32 $0x10, s2;
	v5 =	vld [tilespmem:s31+$0x80]  }
0x2da: {  	s3 =	sor.u32 $0x200, s9;
	[tilespmem:s0+$0x4210] =	vst v0  }
0x2db: {  	v1 =	vadd.f32 v4, v2;
	v2 =	vld [tilespmem:s3+$0x80]  }
0x2dc: {  	s4 =	sadd.s32 $0x20, s2;
	v0 =	vadd.f32 v3, v6  }
0x2dd: {  	s8 =	sadd.s32 $0x30, s2;
	s5 =	sor.u32 $0x200, s4;
	[tilespmem:s0+$0x4220] =	vst v1  }
0x2de: {  	s7 =	sor.u32 $0x200, s8;
	v1 =	vld [tilespmem:s5+$0x80];
	[tilespmem:s0+$0x4230] =	vst v0  }
0x2df: {  	v0 =	vld [tilespmem:s7+$0x80]  }
0x2e0: {  	v4 =	vld [tilespmem:s31+$0x2080]  }
0x2e1: {  	v3 =	vld.idx.msk [tilespmem:v5+s6+$0x0], $0xffff  }
0x2e2: {  	v5 =	vld [tilespmem:s3+$0x2080]  }
0x2e3: {  	v2 =	vld.idx.msk [tilespmem:v2+s6+$0x0], $0xffff  }
0x2e4: {  	v6 =	vld [tilespmem:s5+$0x2080]  }
0x2e5: {  	v7 =	vld [tilespmem:s7+$0x2080]  }
0x2e6: {  	v1 =	vld.idx.msk [tilespmem:v1+s6+$0x0], $0xffff  }
0x2e7: {  	v3 =	vadd.f32 v4, v3;
	v0 =	vld.idx.msk [tilespmem:v0+s6+$0x0], $0xffff  }
0x2e8: {  	v2 =	vadd.f32 v5, v2  }
0x2e9: {  	s1 =	sor.u32 $0x280, s2;
	[tilespmem:s31+$0x4080] =	vst v3  }
0x2ea: {  	s10 =	sor.u32 $0x280, s9;
	v3 =	vld [tilespmem:s1+$0x80];
	[tilespmem:s3+$0x4080] =	vst v2  }
0x2eb: {  	v1 =	vadd.f32 v6, v1;
	v2 =	vld [tilespmem:s10+$0x80]  }
0x2ec: {  	v0 =	vadd.f32 v7, v0  }
0x2ed: {  	s13 =	sor.u32 $0x280, s4;
	[tilespmem:s5+$0x4080] =	vst v1  }
0x2ee: {  	s14 =	sor.u32 $0x280, s8;
	v1 =	vld [tilespmem:s13+$0x80];
	[tilespmem:s7+$0x4080] =	vst v0  }
0x2ef: {  	v0 =	vld [tilespmem:s14+$0x80]  }
0x2f0: {  	v4 =	vld [tilespmem:s1+$0x2080]  }
0x2f1: {  	v5 =	vld [tilespmem:s10+$0x2080]  }
0x2f2: {  	v3 =	vld.idx.msk [tilespmem:v3+s6+$0x0], $0xffff  }
0x2f3: {  	v2 =	vld.idx.msk [tilespmem:v2+s6+$0x0], $0xffff  }
0x2f4: {  	v6 =	vld [tilespmem:s13+$0x2080]  }
0x2f5: {  	v7 =	vld [tilespmem:s14+$0x2080]  }
0x2f6: {  	v1 =	vld.idx.msk [tilespmem:v1+s6+$0x0], $0xffff  }
0x2f7: {  	v3 =	vadd.f32 v4, v3;
	v0 =	vld.idx.msk [tilespmem:v0+s6+$0x0], $0xffff  }
0x2f8: {  	v2 =	vadd.f32 v5, v2  }
0x2f9: {  	s2 =	sor.u32 $0x300, s2;
	[tilespmem:s1+$0x4080] =	vst v3  }
0x2fa: {  	s17 =	sor.u32 $0x300, s9;
	v3 =	vld [tilespmem:s2+$0x80];
	[tilespmem:s10+$0x4080] =	vst v2  }
0x2fb: {  	v1 =	vadd.f32 v6, v1;
	v2 =	vld [tilespmem:s17+$0x80]  }
0x2fc: {  	v4 =	vld [tilespmem:s17+$0x2080];
	v0 =	vadd.f32 v7, v0  }
0x2fd: {  	s16 =	sor.u32 $0x300, s4;
	s0 =	simm.s32 $0x40;
	s3 =	simm.s32 $0x200;
	[tilespmem:s13+$0x4080] =	vst v1;
	v1 =	vld [tilespmem:s2+$0x2080]  }
0x2fe: {  	s15 =	sand.u32 $0x40, s0;
	s18 =	sand.u32 $0xC00, s3;
	s13 =	sor.u32 $0x300, s8;
	v5 =	vld [tilespmem:s16+$0x80];
	[tilespmem:s14+$0x4080] =	vst v0  }
0x2ff: {  	s14 =	sor.u32 s15, s18;
	v6 =	vld [tilespmem:s13+$0x80]  }
0x300: {  	v7 =	vld [tilespmem:s14+$0x90]  }
0x301: {  	v8 =	vld [tilespmem:s14+$0xA0]  }
0x302: {  	v9 =	vld [tilespmem:s14+$0xB0]  }
0x303: {  	v10 =	vld [tilespmem:s14+$0x2090]  }
0x304: {  	v11 =	vld [tilespmem:s14+$0x20A0]  }
0x305: {  	v49 =	vld [tilespmem:s14+$0x100]  }
0x306: {  	v0 =	vld.idx.msk [tilespmem:v3+s6+$0x0], $0xffff  }
0x307: {  	v3 =	vld [tilespmem:s14+$0x80]  }
0x308: {  	v50 =	vld [tilespmem:s14+$0x20B0]  }
0x309: {  	v14 =	vld [tilespmem:s14+$0x180]  }
0x30a: {  	v15 =	vld [tilespmem:s14+$0x110]  }
0x30b: {  	v16 =	vld [tilespmem:s14+$0x120]  }
0x30c: {  	v17 =	vld [tilespmem:s14+$0x130]  }
0x30d: {  	v18 =	vld [tilespmem:s14+$0x2110]  }
0x30e: {  	v0 =	vadd.f32 v1, v0;
	v1 =	vld [tilespmem:s14+$0x2080]  }
0x30f: {  	v3 =	vld.idx.msk [tilespmem:v3+s6+$0x0], $0xffff  }
0x310: {  	v51 =	vld [tilespmem:s14+$0x2120]  }
0x311: {  	v19 =	vld [tilespmem:s14+$0x2130]  }
0x312: {  	v52 =	vld [tilespmem:s14+$0x1A0]  }
0x313: {  	v7 =	vld.idx.msk [tilespmem:v7+s6+$0x0], $0xffff  }
0x314: {  	v8 =	vld.idx.msk [tilespmem:v8+s6+$0x0], $0xffff;
	v1 =	vadd.f32 v1, v3  }
0x315: {  	v9 =	vld.idx.msk [tilespmem:v9+s6+$0x0], $0xffff  }
0x316: {  	v3 =	vld [tilespmem:s14+$0x2100];
	[tilespmem:s14+$0x4080] =	vst v1  }
0x317: {  	v12 =	vld.idx.msk [tilespmem:v49+s6+$0x0], $0xffff  }
0x318: {  	v53 =	vld [tilespmem:s14+$0x2190]  }
0x319: {  	v55 =	vld [tilespmem:s14+$0x220];
	v7 =	vadd.f32 v10, v7  }
0x31a: {  	v2 =	vld.idx.msk [tilespmem:v2+s6+$0x0], $0xffff;
	v8 =	vadd.f32 v11, v8  }
0x31b: {  	[tilespmem:s14+$0x4090] =	vst v7;
	v7 =	vadd.f32 v50, v9;
	v9 =	vld [tilespmem:s14+$0x2180]  }
0x31c: {  	[tilespmem:s14+$0x40A0] =	vst v8;
	v8 =	vld.idx.msk [tilespmem:v15+s6+$0x0], $0xffff;
	v3 =	vadd.f32 v3, v12  }
0x31d: {  	[tilespmem:s14+$0x40B0] =	vst v7;
	v7 =	vld.idx.msk [tilespmem:v16+s6+$0x0], $0xffff  }
0x31e: {  	[tilespmem:s14+$0x4100] =	vst v3;
	v3 =	vld [tilespmem:s14+$0x190]  }
0x31f: {  	v10 =	vld.idx.msk [tilespmem:v14+s6+$0x0], $0xffff  }
0x320: {  	v56 =	vld [tilespmem:s14+$0x230]  }
0x321: {  	v5 =	vld.idx.msk [tilespmem:v5+s6+$0x0], $0xffff  }
0x322: {  	v11 =	vld.idx.msk [tilespmem:v17+s6+$0x0], $0xffff;
	v8 =	vadd.f32 v18, v8  }
0x323: {  	v2 =	vadd.f32 v4, v2;
	v4 =	vld [tilespmem:s13+$0x2080];
	v7 =	vadd.f32 v51, v7  }
0x324: {  	[tilespmem:s14+$0x4110] =	vst v8;
	v9 =	vadd.f32 v9, v10;
	v10 =	vld [tilespmem:s14+$0x1B0]  }
0x325: {  	s20 =	sor.u32 s18, s0;
	[tilespmem:s14+$0x4120] =	vst v7;
	v7 =	vld [tilespmem:s14+$0x210]  }
0x326: {  	s1 =	sor.u32 $0x180, s20;
	[tilespmem:s14+$0x4180] =	vst v9;
	v3 =	vld.idx.msk [tilespmem:v3+s6+$0x0], $0xffff  }
0x327: {  	v11 =	vadd.f32 v19, v11;
	v54 =	vld [tilespmem:s1+$0x80]  }
0x328: {  	v8 =	vld [tilespmem:s14+$0x21B0]  }
0x329: {  	[tilespmem:s14+$0x4130] =	vst v11;
	v11 =	vld.idx.msk [tilespmem:v52+s6+$0x0], $0xffff  }
0x32a: {  	v9 =	vld [tilespmem:s14+$0x21A0]  }
0x32b: {  	v57 =	vld [tilespmem:s1+$0x2080];
	v3 =	vadd.f32 v53, v3  }
0x32c: {  	v10 =	vld.idx.msk [tilespmem:v10+s6+$0x0], $0xffff  }
0x32d: {  	[tilespmem:s14+$0x4190] =	vst v3;
	v3 =	vld [tilespmem:s14+$0x2210]  }
0x32e: {  	s19 =	sor.u32 s11, s12;
	v7 =	vld.idx.msk [tilespmem:v7+s6+$0x0], $0xffff  }
0x32f: {  	s12 =	sor.u32 $0x380, s19;
	[tilespmem:s2+$0x4080] =	vst v0;
	v9 =	vadd.f32 v9, v11;
	v15 =	vld.idx.msk [tilespmem:v54+s6+$0x0], $0xffff  }
0x330: {  	p0 =	por !p0, !p0;
	s2 =	simm.s32 $0x1;
	v0 =	vld [tilespmem:s12+$0x80]  }
0x331: {  	s2 =	simm.s32 @!p0 $0x0;
	[tilespmem:s14+$0x41A0] =	vst v9;
	v9 =	vld [tilespmem:s14+$0x2230];
	v8 =	vadd.f32 v8, v10  }
0x332: {  	s2 =	sshll.u32 s2, $0x6;
	v11 =	vld.idx.msk [tilespmem:v55+s6+$0x0], $0xffff  }
0x333: {  	s2 =	sadd.s32 $0x200, s2;
	v10 =	vld [tilespmem:s14+$0x2220];
	[tilespmem:s14+$0x41B0] =	vst v8;
	v3 =	vadd.f32 v3, v7  }
0x334: {  	s22 =	sadd.s32 $0x10, s2;
	v8 =	vadd.f32 v57, v15;
	v58 =	vld.idx.msk [tilespmem:v56+s6+$0x0], $0xffff  }
0x335: {  	s24 =	sor.u32 $0x200, s22;
	[tilespmem:s14+$0x4210] =	vst v3;
	v3 =	vld.idx.msk [tilespmem:v6+s6+$0x0], $0xffff  }
0x336: {  	s21 =	sor.u32 $0x200, s2;
	[tilespmem:s1+$0x4080] =	vst v8;
	v6 =	vld [tilespmem:s24+$0x80]  }
0x337: {  	v8 =	vld [tilespmem:s21+$0x80]  }
0x338: {  	v1 =	vld [tilespmem:s12+$0x2080]  }
0x339: {  	v7 =	vadd.f32 v10, v11;
	v10 =	vld [tilespmem:s24+$0x2080]  }
0x33a: {  	s20 =	sadd.s32 $0x20, s2;
	v59 =	vld [tilespmem:s21+$0x2080];
	v9 =	vadd.f32 v9, v58  }
0x33b: {  	s23 =	sadd.s32 $0x30, s2;
	s10 =	sor.u32 $0x200, s20;
	[tilespmem:s14+$0x4220] =	vst v7;
	v7 =	vld [tilespmem:s16+$0x2080]  }
0x33c: {  	s25 =	sor.u32 $0x200, s23;
	[tilespmem:s14+$0x4230] =	vst v9;
	v9 =	vld [tilespmem:s10+$0x80]  }
0x33d: {  	v11 =	vld [tilespmem:s25+$0x80]  }
0x33e: {  	v6 =	vld.idx.msk [tilespmem:v6+s6+$0x0], $0xffff  }
0x33f: {  	s9 =	sor.u32 $0x380, s9;
	[tilespmem:s17+$0x4080] =	vst v2;
	v8 =	vld.idx.msk [tilespmem:v8+s6+$0x0], $0xffff  }
0x340: {  	v2 =	vadd.f32 v7, v5;
	v7 =	vld [tilespmem:s9+$0x80]  }
0x341: {  	v0 =	vld.idx.msk [tilespmem:v0+s6+$0x0], $0xffff  }
0x342: {  	v60 =	vld [tilespmem:s10+$0x2080]  }
0x343: {  	v61 =	vld [tilespmem:s25+$0x2080];
	v6 =	vadd.f32 v10, v6  }
0x344: {  	v9 =	vld.idx.msk [tilespmem:v9+s6+$0x0], $0xffff;
	v8 =	vadd.f32 v59, v8  }
0x345: {  	v5 =	vld.idx.msk [tilespmem:v11+s6+$0x0], $0xffff;
	[tilespmem:s24+$0x4080] =	vst v6  }
0x346: {  	s26 =	sor.u32 $0x280, s2;
	v6 =	vld [tilespmem:s9+$0x2080];
	[tilespmem:s21+$0x4080] =	vst v8  }
0x347: {  	[tilespmem:s16+$0x4080] =	vst v2;
	v2 =	vld [tilespmem:s26+$0x80]  }
0x348: {  	s4 =	sor.u32 $0x380, s4;
	v3 =	vadd.f32 v4, v3;
	v7 =	vld.idx.msk [tilespmem:v7+s6+$0x0], $0xffff  }
0x349: {  	s29 =	sor.u32 $0x280, s22;
	v8 =	vld [tilespmem:s4+$0x80];
	v9 =	vadd.f32 v60, v9  }
0x34a: {  	[tilespmem:s13+$0x4080] =	vst v3;
	v4 =	vld [tilespmem:s29+$0x80];
	v5 =	vadd.f32 v61, v5  }
0x34b: {  	s30 =	sor.u32 $0x280, s20;
	v3 =	vld [tilespmem:s29+$0x2080];
	[tilespmem:s10+$0x4080] =	vst v9  }
0x34c: {  	s31 =	sor.u32 $0x280, s23;
	[tilespmem:s25+$0x4080] =	vst v5;
	v5 =	vld [tilespmem:s30+$0x80]  }
0x34d: {  	v10 =	vld [tilespmem:s31+$0x80]  }
0x34e: {  	v11 =	vld [tilespmem:s26+$0x2080]  }
0x34f: {  	s8 =	sor.u32 $0x380, s8;
	v2 =	vld.idx.msk [tilespmem:v2+s6+$0x0], $0xffff  }
0x350: {  	v9 =	vld [tilespmem:s8+$0x80]  }
0x351: {  	v62 =	vld [tilespmem:s30+$0x2080]  }
0x352: {  	v4 =	vld.idx.msk [tilespmem:v4+s6+$0x0], $0xffff  }
0x353: {  	v63 =	vld [tilespmem:s31+$0x2080]  }
0x354: {  	v2 =	vadd.f32 v11, v2;
	v11 =	vld.idx.msk [tilespmem:v5+s6+$0x0], $0xffff  }
0x355: {  	v10 =	vld.idx.msk [tilespmem:v10+s6+$0x0], $0xffff  }
0x356: {  	s15 =	sor.u32 $0x300, s2;
	v5 =	vld.idx.msk [tilespmem:v8+s6+$0x0], $0xffff;
	[tilespmem:s26+$0x4080] =	vst v2  }
0x357: {  	v2 =	vadd.f32 v3, v4;
	v8 =	vld [tilespmem:s15+$0x80]  }
0x358: {  	v0 =	vadd.f32 v1, v0;
	v4 =	vld.idx.msk [tilespmem:v9+s6+$0x0], $0xffff  }
0x359: {  	[tilespmem:s29+$0x4080] =	vst v2;
	v2 =	vadd.f32 v6, v7;
	v6 =	vld [tilespmem:s4+$0x2080]  }
0x35a: {  	s11 =	sor.u32 $0x300, s22;
	[tilespmem:s12+$0x4080] =	vst v0;
	v7 =	vld [tilespmem:s8+$0x2080];
	v3 =	vadd.f32 v62, v11  }
0x35b: {  	s17 =	sor.u32 $0x380, s20;
	v1 =	vld [tilespmem:s11+$0x80];
	v9 =	vadd.f32 v63, v10;
	[tilespmem:s9+$0x4080] =	vst v2  }
0x35c: {  	s12 =	sor.u32 $0x300, s20;
	s13 =	sor.u32 $0x300, s23;
	s16 =	sor.u32 $0x380, s23;
	v0 =	vld [tilespmem:s11+$0x2080];
	[tilespmem:s30+$0x4080] =	vst v3  }
0x35d: {  	s24 =	simm.s32 $0x200;
	s25 =	simm.s32 $0x40;
	s9 =	sor.u32 $0x380, s22;
	[tilespmem:s31+$0x4080] =	vst v9;
	v2 =	vld [tilespmem:s12+$0x80]  }
.LBB2_8:
0x35e: {  	s0 =	sadd.s32 $0x40, s0;
	v3 =	vld [tilespmem:s13+$0x80];
	s3 =	sadd.s32 $0x200, s3;
	v5 =	vadd.f32 v6, v5  }
0x35f: {  	s2 =	sand.u32 $0x40, s0;
	s1 =	sand.u32 $0xC00, s3;
	p1 =	slt.u32 s0, $0x1C0;
	v6 =	vld.idx.msk [tilespmem:v8+s6+$0x0], $0xffff  }
0x360: {  	s26 =	sor.u32 s2, s1;
	v8 =	vld [tilespmem:s15+$0x2080];
	[tilespmem:s4+$0x4080] =	vst v5;
	s4 =	smov.u32 s17  }
0x361: {  	v5 =	vld [tilespmem:s26+$0x80];
	v4 =	vadd.f32 v7, v4  }
0x362: {  	v7 =	vld [tilespmem:s26+$0x90]  }
0x363: {  	v9 =	vld [tilespmem:s26+$0xA0];
	[tilespmem:s8+$0x4080] =	vst v4;
	s8 =	smov.u32 s16  }
0x364: {  	v4 =	vld [tilespmem:s26+$0xB0]  }
0x365: {  	v10 =	vld [tilespmem:s26+$0x2090];
	v6 =	vadd.f32 v8, v6  }
0x366: {  	s2 =	sor.u32 s24, s25;
	s25 =	smov.u32 s0;
	s24 =	smov.u32 s3;
	v8 =	vld [tilespmem:s26+$0x20A0]  }
0x367: {  	s2 =	sor.u32 $0x380, s2;
	v11 =	vld [tilespmem:s26+$0x2080];
	[tilespmem:s15+$0x4080] =	vst v6  }
0x368: {  	v6 =	vld [tilespmem:s2+$0x80]  }
0x369: {  	v5 =	vld.idx.msk [tilespmem:v5+s6+$0x0], $0xffff  }
0x36a: {  	v12 =	vld [tilespmem:s26+$0x100]  }
0x36b: {  	v7 =	vld.idx.msk [tilespmem:v7+s6+$0x0], $0xffff  }
0x36c: {  	v9 =	vld.idx.msk [tilespmem:v9+s6+$0x0], $0xffff  }
0x36d: {  	v4 =	vld.idx.msk [tilespmem:v4+s6+$0x0], $0xffff  }
0x36e: {  	v13 =	vld [tilespmem:s26+$0x20B0]  }
0x36f: {  	v5 =	vadd.f32 v11, v5;
	v11 =	vld [tilespmem:s26+$0x2100]  }
0x370: {  	v6 =	vld.idx.msk [tilespmem:v6+s6+$0x0], $0xffff  }
0x371: {  	[tilespmem:s26+$0x4080] =	vst v5;
	v5 =	vadd.f32 v10, v7;
	v7 =	vld [tilespmem:s2+$0x2080]  }
0x372: {  	v8 =	vadd.f32 v8, v9;
	v10 =	vld.idx.msk [tilespmem:v12+s6+$0x0], $0xffff  }
0x373: {  	v9 =	vld [tilespmem:s26+$0x180];
	[tilespmem:s26+$0x4090] =	vst v5;
	v4 =	vadd.f32 v13, v4  }
0x374: {  	v5 =	vld [tilespmem:s26+$0x110];
	[tilespmem:s26+$0x40A0] =	vst v8  }
0x375: {  	v8 =	vld [tilespmem:s26+$0x120];
	[tilespmem:s26+$0x40B0] =	vst v4  }
0x376: {  	v4 =	vld [tilespmem:s26+$0x130];
	v6 =	vadd.f32 v7, v6  }
0x377: {  	v7 =	vld [tilespmem:s26+$0x2110]  }
0x378: {  	v10 =	vadd.f32 v11, v10;
	v11 =	vld [tilespmem:s26+$0x2120];
	[tilespmem:s2+$0x4080] =	vst v6  }
0x379: {  	v6 =	vld [tilespmem:s26+$0x2130]  }
0x37a: {  	[tilespmem:s26+$0x4100] =	vst v10;
	v10 =	vld [tilespmem:s26+$0x190]  }
0x37b: {  	v9 =	vld.idx.msk [tilespmem:v9+s6+$0x0], $0xffff  }
0x37c: {  	v12 =	vld [tilespmem:s26+$0x2180]  }
0x37d: {  	v5 =	vld.idx.msk [tilespmem:v5+s6+$0x0], $0xffff  }
0x37e: {  	v8 =	vld.idx.msk [tilespmem:v8+s6+$0x0], $0xffff  }
0x37f: {  	v4 =	vld.idx.msk [tilespmem:v4+s6+$0x0], $0xffff  }
0x380: {  	v13 =	vld [tilespmem:s26+$0x1A0]  }
0x381: {  	v9 =	vadd.f32 v12, v9;
	v12 =	vld [tilespmem:s26+$0x1B0]  }
0x382: {  	s1 =	sor.u32 s1, s25;
	v14 =	vld [tilespmem:s26+$0x2190]  }
0x383: {  	s1 =	sor.u32 $0x180, s1;
	v5 =	vadd.f32 v7, v5;
	[tilespmem:s26+$0x4180] =	vst v9;
	v7 =	vld [tilespmem:s26+$0x21A0]  }
0x384: {  	v8 =	vadd.f32 v11, v8;
	v9 =	vld [tilespmem:s1+$0x80]  }
0x385: {  	v4 =	vadd.f32 v6, v4;
	[tilespmem:s26+$0x4110] =	vst v5;
	v5 =	vld [tilespmem:s26+$0x21B0]  }
0x386: {  	v6 =	vld.idx.msk [tilespmem:v10+s6+$0x0], $0xffff;
	[tilespmem:s26+$0x4120] =	vst v8  }
0x387: {  	v8 =	vld [tilespmem:s26+$0x210];
	[tilespmem:s26+$0x4130] =	vst v4  }
0x388: {  	v4 =	vld.idx.msk [tilespmem:v13+s6+$0x0], $0xffff  }
0x389: {  	v10 =	vld.idx.msk [tilespmem:v12+s6+$0x0], $0xffff  }
0x38a: {  	v11 =	vld [tilespmem:s26+$0x220]  }
0x38b: {  	v12 =	vld [tilespmem:s26+$0x230]  }
0x38c: {  	v6 =	vadd.f32 v14, v6;
	v9 =	vld.idx.msk [tilespmem:v9+s6+$0x0], $0xffff  }
0x38d: {  	v13 =	vld [tilespmem:s1+$0x2080]  }
0x38e: {  	v4 =	vadd.f32 v7, v4;
	[tilespmem:s26+$0x4190] =	vst v6;
	v6 =	vld [tilespmem:s26+$0x2210]  }
0x38f: {  	v5 =	vadd.f32 v5, v10;
	v7 =	vld.idx.msk [tilespmem:v8+s6+$0x0], $0xffff  }
0x390: {  	p0 =	por !p0, !p0;
	s2 =	simm.s32 $0x1;
	[tilespmem:s26+$0x41A0] =	vst v4;
	v4 =	vld [tilespmem:s26+$0x2220]  }
0x391: {  	s2 =	simm.s32 @!p0 $0x0;
	[tilespmem:s26+$0x41B0] =	vst v5;
	v5 =	vld [tilespmem:s26+$0x2230]  }
0x392: {  	s2 =	sshll.u32 s2, $0x6;
	v8 =	vadd.f32 v13, v9;
	v9 =	vld.idx.msk [tilespmem:v11+s6+$0x0], $0xffff  }
0x393: {  	s15 =	sadd.s32 s2, s3;
	v10 =	vld.idx.msk [tilespmem:v12+s6+$0x0], $0xffff  }
0x394: {  	s10 =	sor.u32 $0x200, s15;
	s16 =	sadd.s32 $0x20, s15;
	[tilespmem:s1+$0x4080] =	vst v8;
	s1 =	sadd.s32 $0x10, s15;
	v1 =	vld.idx.msk [tilespmem:v1+s6+$0x0], $0xffff  }
0x395: {  	s18 =	sadd.s32 $0x30, s15;
	s2 =	sor.u32 $0x200, s16;
	v6 =	vadd.f32 v6, v7;
	v8 =	vld [tilespmem:s10+$0x80];
	s7 =	sor.u32 $0x200, s1  }
0x396: {  	s23 =	sor.u32 $0x280, s16;
	s5 =	sor.u32 $0x200, s18;
	s20 =	sor.u32 $0x280, s1;
	v2 =	vld.idx.msk [tilespmem:v2+s6+$0x0], $0xffff  }
0x397: {  	s21 =	sor.u32 $0x300, s16;
	s14 =	sor.u32 $0x280, s18;
	s19 =	sor.u32 $0x300, s1;
	[tilespmem:s26+$0x4210] =	vst v6;
	v3 =	vld.idx.msk [tilespmem:v3+s6+$0x0], $0xffff  }
0x398: {  	s17 =	sor.u32 $0x380, s16;
	s22 =	sor.u32 $0x300, s18;
	s1 =	sor.u32 $0x380, s1;
	v4 =	vadd.f32 v4, v9;
	v6 =	vld [tilespmem:s7+$0x80]  }
0x399: {  	s16 =	sor.u32 $0x380, s18;
	v5 =	vadd.f32 v5, v10;
	v7 =	vld [tilespmem:s7+$0x2080]  }
0x39a: {  	v0 =	vadd.f32 v0, v1;
	[tilespmem:s26+$0x4220] =	vst v4;
	v1 =	vld [tilespmem:s12+$0x2080]  }
0x39b: {  	v4 =	vld [tilespmem:s2+$0x80];
	[tilespmem:s26+$0x4230] =	vst v5  }
0x39c: {  	v5 =	vld [tilespmem:s5+$0x80];
	[tilespmem:s11+$0x4080] =	vst v0;
	s11 =	smov.u32 s19  }
0x39d: {  	v0 =	vld.idx.msk [tilespmem:v8+s6+$0x0], $0xffff  }
0x39e: {  	v8 =	vld [tilespmem:s10+$0x2080]  }
0x39f: {  	v9 =	vld [tilespmem:s2+$0x2080];
	v1 =	vadd.f32 v1, v2  }
0x3a0: {  	v2 =	vld.idx.msk [tilespmem:v6+s6+$0x0], $0xffff  }
0x3a1: {  	v6 =	vld [tilespmem:s5+$0x2080];
	[tilespmem:s12+$0x4080] =	vst v1;
	s12 =	smov.u32 s21  }
0x3a2: {  	v1 =	vld [tilespmem:s13+$0x2080]  }
0x3a3: {  	v0 =	vadd.f32 v8, v0;
	v4 =	vld.idx.msk [tilespmem:v4+s6+$0x0], $0xffff  }
0x3a4: {  	v5 =	vld.idx.msk [tilespmem:v5+s6+$0x0], $0xffff  }
0x3a5: {  	[tilespmem:s10+$0x4080] =	vst v0;
	s10 =	sor.u32 $0x280, s15;
	v0 =	vld [tilespmem:s9+$0x80]  }
0x3a6: {  	v2 =	vadd.f32 v7, v2;
	v8 =	vld [tilespmem:s10+$0x80]  }
0x3a7: {  	v7 =	vld [tilespmem:s4+$0x80];
	v1 =	vadd.f32 v1, v3  }
0x3a8: {  	[tilespmem:s7+$0x4080] =	vst v2;
	v2 =	vld [tilespmem:s9+$0x2080]  }
0x3a9: {  	v4 =	vadd.f32 v9, v4;
	v3 =	vld [tilespmem:s20+$0x80];
	[tilespmem:s13+$0x4080] =	vst v1;
	s13 =	smov.u32 s22  }
0x3aa: {  	v5 =	vadd.f32 v6, v5;
	v1 =	vld [tilespmem:s20+$0x2080]  }
0x3ab: {  	[tilespmem:s2+$0x4080] =	vst v4;
	v4 =	vld [tilespmem:s8+$0x80]  }
0x3ac: {  	v6 =	vld [tilespmem:s23+$0x80];
	[tilespmem:s5+$0x4080] =	vst v5  }
0x3ad: {  	v5 =	vld [tilespmem:s14+$0x80]  }
0x3ae: {  	v8 =	vld.idx.msk [tilespmem:v8+s6+$0x0], $0xffff  }
0x3af: {  	v9 =	vld [tilespmem:s10+$0x2080]  }
0x3b0: {  	v10 =	vld [tilespmem:s23+$0x2080]  }
0x3b1: {  	v3 =	vld.idx.msk [tilespmem:v3+s6+$0x0], $0xffff  }
0x3b2: {  	v11 =	vld [tilespmem:s14+$0x2080]  }
0x3b3: {  	v0 =	vld.idx.msk [tilespmem:v0+s6+$0x0], $0xffff  }
0x3b4: {  	v8 =	vadd.f32 v9, v8;
	v9 =	vld.idx.msk [tilespmem:v6+s6+$0x0], $0xffff  }
0x3b5: {  	v12 =	vld.idx.msk [tilespmem:v5+s6+$0x0], $0xffff  }
0x3b6: {  	s15 =	sor.u32 $0x300, s15;
	[tilespmem:s10+$0x4080] =	vst v8;
	v5 =	vld.idx.msk [tilespmem:v7+s6+$0x0], $0xffff  }
0x3b7: {  	v1 =	vadd.f32 v1, v3;
	v8 =	vld [tilespmem:s15+$0x80]  }
0x3b8: {  	v4 =	vld.idx.msk [tilespmem:v4+s6+$0x0], $0xffff  }
.Ltmp3:
0x3b9: {  	v2 =	vadd.f32 v2, v0;
	[tilespmem:s20+$0x4080] =	vst v1;
	v6 =	vld [tilespmem:s4+$0x2080];
	(pc) =	sbr.rel @p1 .LBB2_8-.Ltmp3, $4  }
0x3ba: {  	v3 =	vadd.f32 v10, v9;
	v1 =	vld [tilespmem:s11+$0x80]  }
0x3bb: {  	v9 =	vadd.f32 v11, v12;
	v0 =	vld [tilespmem:s11+$0x2080];
	[tilespmem:s9+$0x4080] =	vst v2;
	s9 =	smov.u32 s1  }
0x3bc: {  	[tilespmem:s23+$0x4080] =	vst v3;
	v7 =	vld [tilespmem:s8+$0x2080]  }
0x3bd: {  	v2 =	vld [tilespmem:s12+$0x80];
	[tilespmem:s14+$0x4080] =	vst v9  }
0x3be: {  	_ =	sdelay $0x1  }
0x3bf: {  	v3 =	vld [tilespmem:s13+$0x80];
	_ =	sdelay $0x1  }
0x3c0: {  	v8 =	vld.idx.msk [tilespmem:v8+s6+$0x0], $0xffff  }
0x3c1: {  	v9 =	vld [tilespmem:s15+$0x2080]  }
0x3c2: {  	v10 =	vld [tilespmem:s12+$0x2080]  }
0x3c3: {  	v54 =	vld [tilespmem:s13+$0x2080]  }
0x3c4: {  	v1 =	vld.idx.msk [tilespmem:v1+s6+$0x0], $0xffff  }
0x3c5: {  	v2 =	vld.idx.msk [tilespmem:v2+s6+$0x0], $0xffff  }
0x3c6: {  	v3 =	vld.idx.msk [tilespmem:v3+s6+$0x0], $0xffff  }
0x3c7: {  	v8 =	vadd.f32 v9, v8  }
0x3c8: {  	s0 =	sor.u32 s24, s25  }
0x3c9: {  	s0 =	sor.u32 $0x380, s0;
	v0 =	vadd.f32 v0, v1;
	[tilespmem:s15+$0x4080] =	vst v8  }
0x3ca: {  	v8 =	vld [tilespmem:s0+$0x80];
	v55 =	vadd.f32 v10, v2  }
0x3cb: {  	[tilespmem:s11+$0x4080] =	vst v0;
	v56 =	vadd.f32 v54, v3  }
0x3cc: {  	v57 =	vld [tilespmem:s9+$0x80];
	[tilespmem:s12+$0x4080] =	vst v55  }
0x3cd: {  	v58 =	vld [tilespmem:s17+$0x80];
	[tilespmem:s13+$0x4080] =	vst v56  }
0x3ce: {  	v0 =	vld [tilespmem:s16+$0x80]  }
0x3cf: {  	v60 =	vld [tilespmem:s0+$0x2080]  }
0x3d0: {  	v61 =	vld [tilespmem:s9+$0x2080]  }
0x3d1: {  	v62 =	vld [tilespmem:s17+$0x2080]  }
0x3d2: {  	v59 =	vld.idx.msk [tilespmem:v8+s6+$0x0], $0xffff  }
0x3d3: {  	v63 =	vld [tilespmem:s16+$0x2080]  }
0x3d4: {  	v1 =	vld.idx.msk [tilespmem:v57+s6+$0x0], $0xffff  }
0x3d5: {  	v2 =	vld.idx.msk [tilespmem:v58+s6+$0x0], $0xffff  }
0x3d6: {  	v5 =	vadd.f32 v6, v5;
	v0 =	vld.idx.msk [tilespmem:v0+s6+$0x0], $0xffff  }
0x3d7: {  	v4 =	vadd.f32 v7, v4  }
0x3d8: {  	[tilespmem:s4+$0x4080] =	vst v5;
	v3 =	vadd.f32 v60, v59  }
0x3d9: {  	[tilespmem:s8+$0x4080] =	vst v4;
	v1 =	vadd.f32 v61, v1  }
0x3da: {  	[tilespmem:s0+$0x4080] =	vst v3;
	v2 =	vadd.f32 v62, v2  }
0x3db: {  	[tilespmem:s9+$0x4080] =	vst v1;
	v0 =	vadd.f32 v63, v0  }
0x3dc: {  	[tilespmem:s17+$0x4080] =	vst v2  }
0x3dd: {  	[tilespmem:s16+$0x4080] =	vst v0  }
0x3de: {  	s1 =	simm.s32 $0x4080;
	s0 =	rddreg [dreg:$0x9]  }
0x3df: {  	[hbm4b:s0+s6] =	stream.linear.scatter [tilespmem:s1], [sflag:$0x5], $0x1000, $0x38;
	[tilespmem:$0x6080] =	vst v63  }
0x3e0: {  	_ =	swait.ge [sflag:s28], $0x1000  }
0x3e1: {  	[sflag:s28] =	ssyncset.done $0x0  }
0x3e2: {  	s30 =	simm.s32 $0x6;
	[sflag:s28] =	ssyncadd.s32 $0xFFFFF000  }
0x3e3: {  	_ =	swait.ge [sflag:s30], $0x1000  }
0x3e4: {  	s2 =	rddreg [dreg:$0xb]  }
0x3e5: {  	s31 =	rddreg [dreg:$0xa];
	s2 =	sadd.s32 $0x1, s2  }
0x3e6: {  	p0 =	sne.s32 s2, s31  }
.Ltmp4:
0x3e7: {  	_ = 	snop;
	(pc) =	sbr.rel @p0 .LBB2_1-.Ltmp4, $3  }
0x3e8: {  	_ =	sdelay $0x1  }
0x3e9: {  	[sflag:s30] =	ssyncset.done $0x0  }
0x3ea: {  	[sflag:s30] =	ssyncadd.s32 $0xFFFFF000  }
0x3eb: {  	_ =	sfence.sel $0x180000  }
0x3ec: {  	[bflag:$0x0] =	sbarrier.arrive $0xFFFF  }
0x3ed: {  	_ =	strace $0x90000047  }
0x3ee: {  	s0 =	stileid.u32;
	[bflag:$0x2] =	sbarrier.arrive $0xFFFF  }
0x3ef: {  	p0 =	sne.s32 s0, $0x0;
	s0 =	rddreg [dreg:$0x4]  }
0x3f0: {  	s0 =	sadd.s32 @!p0 $0x100000, s0  }
0x3f1: {  	[sflag:s0] =	ssyncadd.tile.s32 @!p0 $0x1;
	_ =	shalt  }
.Lfunc_end2:
_tile_overlayer_lowered:
.L_overlay_start_2:
0x3f2: {  	(tag) =	ssettag $0x2  }
0x3f3: {  	s0 =	rddreg [dreg:$0x0];
	s2 =	stileid.u32  }
0x3f4: {  	s1 =	rddreg [dreg:$0x1];
	p0 =	sne.s32 s2, $0x0  }
0x3f5: {  	s3 =	rddreg [dreg:$0x2];
	[bflag:$0x3] =	sbarrier.arrive $0xFFFF;
	s2 =	simm.s32 @!p0 $0x1C07  }
0x3f6: {  	[timem:s3], [sflag:s2] =	dma.local @!p0 [hbm:s0], s1  }
0x3f7: {  	s0 =	simm.s32 @!p0 $0x7  }
0x3f8: {  	_ =	swait.ge @!p0 [sflag:s0], s1  }
0x3f9: {  	s1 =	ssub.s32 @!p0 $0x0, s1;
	[sflag:s0] =	ssyncset.done @!p0 $0x0  }
0x3fa: {  	[sflag:s0] =	ssyncadd.s32 @!p0 s1  }
0x3fb: {  	[bflag:$0x3] =	sbarrier.arrive $0xFFFF  }
0x3fc: {  	_ =	shalt  }

</sc_bundles>
